<compile_context>
chip_gen: v7x
topology: tpu7x:2x2x1
jax: 0.10.2.dev20260603
libtpu: 0.0.44.dev20260713+nightly
codegen_flags: <defaults>
</compile_context>

<pallas_src>
import functools

import numpy as np
import jax
import jax.numpy as jnp
from jax import lax
from jax.experimental import pallas as pl
from jax.experimental.pallas import tpu as pltpu
from jax.experimental.pallas import tpu_sc as plsc

_H = _W = 64
_NA = 9
_A = _NA * _H * _W
_ROWS = _A // 128
_NUM_FG = 256 // 3
_NUM_BG = 256 * 2 // 3
_POS = 0.7
_NEG = 0.3
_G = 50
_RATIO = float(0.7 * 1.3 / (0.3 * 1.7))


def _anchor_consts():
    sizes = [4.0, 8.0, 16.0]
    ratios = [0.5, 1.0, 2.0]
    ws, hs = [], []
    for s in sizes:
        for r in ratios:
            ws.append(s * np.sqrt(r))
            hs.append(s / np.sqrt(r))
    ws = np.asarray(ws, np.float32)
    hs = np.asarray(hs, np.float32)
    yy, xx = np.meshgrid(np.arange(_H, dtype=np.float32),
                         np.arange(_W, dtype=np.float32), indexing='ij')
    x = xx[None] + 0.5 - ws[:, None, None] / 2.0
    y = yy[None] + 0.5 - hs[:, None, None] / 2.0
    w = np.broadcast_to(ws[:, None, None], (_NA, _H, _W)).astype(np.float32)
    h = np.broadcast_to(hs[:, None, None], (_NA, _H, _W)).astype(np.float32)

    x2k = x + w - 1.0
    y2k = y + h - 1.0
    L = float(_H) - 1.0
    keep = (x >= 0) & (y >= 0) & (x2k >= 0) & (y2k >= 0)
    keep &= (x <= L) & (y <= L) & (x2k <= L) & (y2k <= L)
    keep &= (w >= 0) & (h >= 0) & (w <= L) & (h <= L)

    rs = lambda a: a.reshape(_ROWS, 128).astype(np.float32)
    xs = np.arange(_W, dtype=np.float32)
    x1b = (xs[None] + 0.5 - ws[:, None] / 2.0).astype(np.float32)
    x2b = (x1b + ws[:, None]).astype(np.float32)
    pad = np.zeros((16 - _NA, 128), np.float32)
    x1r = np.concatenate([np.tile(x1b, (1, 2)), pad], 0)
    x2r = np.concatenate([np.tile(x2b, (1, 2)), pad], 0)
    areas = (ws * hs).astype(np.float32)
    return (rs(y), rs(y + h), rs(keep.astype(np.float32)), x1r, x2r, areas)


_CH = 32
_NCH = _ROWS // _CH


def _body(gt_ref, inv_ref, y1_ref, y2_ref, keep_ref, x1r_ref, x2r_ref,
          lab_ref, mov_ref):
    def chunk_step(c, _):
        sl = pl.ds(c * _CH, _CH)
        ay1 = y1_ref[sl, :]
        ay2 = y2_ref[sl, :]
        ax1 = x1r_ref[pl.ds(c, 1), :]
        ax2 = x2r_ref[pl.ds(c, 1), :]

        def g_step(g, mx):
            gx1 = gt_ref[0, 0, g]
            gy1 = gt_ref[0, 1, g]
            gx2 = gt_ref[0, 2, g]
            gy2 = gt_ref[0, 3, g]
            s = inv_ref[0, c, g]
            ix = jnp.maximum(jnp.minimum(ax2, gx2) - jnp.maximum(ax1, gx1),
                             0.0)
            iy = jnp.maximum(jnp.minimum(ay2, gy2) - jnp.maximum(ay1, gy1),
                             0.0)
            return jnp.maximum(mx, (iy * ix) * s)

        mov_ref[sl, :] = jax.lax.fori_loop(
            0, _G, g_step, jnp.zeros((_CH, 128), jnp.float32), unroll=5)
        return 0

    jax.lax.fori_loop(0, _NCH, chunk_step, 0)
    m = mov_ref[...]

    kb = keep_ref[...] > 0.0
    lab_ref[0] = jnp.where(kb, m, 1.5)


def kernel(cls_scores, gt_boxes, image_info):
    B = gt_boxes.shape[0]
    y1c, y2c, keep, x1r, x2r, areas = _anchor_consts()
    y1c, y2c, keep, x1r, x2r = (jnp.asarray(a)
                                for a in (y1c, y2c, keep, x1r, x2r))

    gx1 = gt_boxes[:, :, 0]
    gy1 = gt_boxes[:, :, 1]
    gx2 = gx1 + gt_boxes[:, :, 2]
    gy2 = gy1 + gt_boxes[:, :, 3]
    gt = jnp.stack([gx1, gy1, gx2, gy2], axis=1)
    gt = jnp.pad(gt, ((0, 0), (0, 4), (0, 64 - _G)))

    ga = gt_boxes[:, :, 2] * gt_boxes[:, :, 3]
    k2 = np.float32(0.3 / 1.3)
    inv = 1.0 / (k2 * (jnp.asarray(areas)[None, :, None]
                       + ga[:, None, :]))
    inv = jnp.pad(inv.astype(jnp.float32),
                  ((0, 0), (0, 16 - _NA), (0, 64 - _G)))

    full = lambda shp: pl.BlockSpec(shp, lambda b: (0,) * len(shp))
    (lab,) = pl.pallas_call(
        _body,
        grid=(B,),
        in_specs=[
            pl.BlockSpec((1, 8, 64), lambda b: (b, 0, 0),
                         memory_space=pltpu.SMEM),
            pl.BlockSpec((1, 16, 64), lambda b: (b, 0, 0),
                         memory_space=pltpu.SMEM),
            full((_ROWS, 128)), full((_ROWS, 128)), full((_ROWS, 128)),
            full((16, 128)), full((16, 128)),
        ],
        out_specs=[
            pl.BlockSpec((1, _ROWS, 128), lambda b: (b, 0, 0)),
        ],
        out_shape=[
            jax.ShapeDtypeStruct((B, _ROWS, 128), jnp.float32),
        ],
        scratch_shapes=[pltpu.VMEM((_ROWS, 128), jnp.float32)],
        compiler_params=pltpu.CompilerParams(
            dimension_semantics=("parallel",)),
    )(gt, inv, y1c, y2c, keep, x1r, x2r)

    lab = _sc_balance(lab.reshape(B * _A))
    tgt = jnp.zeros((B, _NA, _H, _W, 4), jnp.float32)
    return (lab.reshape(B, _NA, _H, _W, 1), tgt)


def _sc_balance(mflat):
    B = mflat.shape[0] // _A

    @functools.partial(
        pl.kernel,
        out_type=jax.ShapeDtypeStruct((B * _A,), jnp.float32),
        mesh=plsc.VectorSubcoreMesh(core_axis_name="c", subcore_axis_name="s"),
        scratch_types=[pltpu.VMEM((_A,), jnp.float32),
                       pltpu.SemaphoreType.DMA],
        compiler_params=pltpu.CompilerParams(needs_layout_passes=False),
    )
    def bal(m_hbm, out_hbm, buf, sem):
        wid = lax.axis_index("s") * 2 + lax.axis_index("c")

        @pl.when(wid < B)
        def _():
            base = wid * _A
            pltpu.async_copy(m_hbm.at[pl.ds(base, _A)], buf, sem).wait()

            def step(i, carry):
                rf, rb = carry
                v = buf[pl.ds(i * 16, 16)]
                fg = v >= _RATIO
                bg = v <= 1.0
                fgf = jnp.where(fg, 1.0, 0.0)
                bgf = jnp.where(bg, 1.0, 0.0)
                cf = plsc.cumsum(fgf) + rf
                cb = plsc.cumsum(bgf) + rb
                lab = jnp.where(fg & (cf <= float(_NUM_FG)), 1.0,
                                jnp.where(bg & (cb <= float(_NUM_BG)),
                                          0.0, -1.0))
                buf[pl.ds(i * 16, 16)] = lab
                return (rf + jnp.sum(fgf), rb + jnp.sum(bgf))

            lax.fori_loop(0, _A // 16, step, (0.0, 0.0), unroll=4)
            pltpu.async_copy(buf, out_hbm.at[pl.ds(base, _A)], sem).wait()

    return bal(mflat)

# --- scband reference (transcript-rebuilt; emitter-appended) ---
"""Pipeline reference for scband-anchor-layer-52527450030580 (READ-ONLY COPY).

The authoritative reference and input builder live on the scoring server;
editing this copy changes nothing except your own understanding.
"""

import jax, jax.numpy as jnp
import numpy as np

IMAGE_INPUT_DIMS = 512
ANCHOR_SIZES = [4.0, 8.0, 16.0]
RATIOS = [0.5, 1.0, 2.0]
NUM_ANCHORS = 9
RPN_POSITIVE_OVERLAP = 0.7
RPN_NEGATIVE_OVERLAP = 0.3


def _make_anchors(H, W):
    ws, hs = [], []
    for s in ANCHOR_SIZES:
        for r in RATIOS:
            ws.append(s * np.sqrt(r))
            hs.append(s / np.sqrt(r))
    ws = np.asarray(ws, np.float32)
    hs = np.asarray(hs, np.float32)
    yy, xx = np.meshgrid(np.arange(H, dtype=np.float32), np.arange(W, dtype=np.float32), indexing='ij')
    x = xx[None] + 0.5 - ws[:, None, None] / 2.0
    y = yy[None] + 0.5 - hs[:, None, None] / 2.0
    w = np.broadcast_to(ws[:, None, None], (NUM_ANCHORS, H, W)).copy()
    h = np.broadcast_to(hs[:, None, None], (NUM_ANCHORS, H, W)).copy()
    return jnp.asarray(np.stack([x, y, w, h], axis=-1))  # (A9, H, W, 4) xywh, feature coords


def _keep_mask(anc, length):
    # mirrors clip_boxes_batch: keep anchors fully inside [0, length-1]
    x, y, w, h = anc[..., 0], anc[..., 1], anc[..., 2], anc[..., 3]
    x2 = x + w - 1.0
    y2 = y + h - 1.0
    L = float(length) - 1.0
    keep = (x >= 0) & (y >= 0) & (x2 >= 0) & (y2 >= 0)
    keep = keep & (x <= L) & (y <= L) & (x2 <= L) & (y2 <= L)
    keep = keep & (w >= 0) & (h >= 0) & (w <= L) & (h <= L)
    return keep


def _iou(anc, gt):
    # anc: (A,4) xywh, gt: (G,4) xywh -> (A,G)
    ax1, ay1 = anc[:, 0], anc[:, 1]
    ax2, ay2 = ax1 + anc[:, 2], ay1 + anc[:, 3]
    gx1, gy1 = gt[:, 0], gt[:, 1]
    gx2, gy2 = gx1 + gt[:, 2], gy1 + gt[:, 3]
    ix = jnp.clip(jnp.minimum(ax2[:, None], gx2[None, :]) - jnp.maximum(ax1[:, None], gx1[None, :]), 0.0)
    iy = jnp.clip(jnp.minimum(ay2[:, None], gy2[None, :]) - jnp.maximum(ay1[:, None], gy1[None, :]), 0.0)
    inter = ix * iy
    area_a = (anc[:, 2] * anc[:, 3])[:, None]
    area_g = (gt[:, 2] * gt[:, 3])[None, :]
    union = area_a + area_g - inter
    return inter / jnp.maximum(union, 1e-10)


def setup_inputs(seed: int = 0) -> dict:
    key = jax.random.key(seed)
    k1, k2, k3 = jax.random.split(key, 3)
    cls_scores = jax.random.normal(k1, (16, 18, 64, 64), dtype=jnp.float32)
    xy = jax.random.uniform(k2, (16, 50, 2), dtype=jnp.float32) * 44.0
    wh = jax.random.uniform(k3, (16, 50, 2), dtype=jnp.float32) * 16.0 + 2.0
    gt_boxes = jnp.concatenate([xy, wh], axis=-1)  # (B, G, 4) xywh in feature coords
    image_info = jnp.zeros((16, 3), dtype=jnp.float32)
    return {"cls_scores": cls_scores, "gt_boxes": gt_boxes, "image_info": image_info}


def reference(cls_scores, gt_boxes, image_info):
    B = gt_boxes.shape[0]
    _, _, H, W = cls_scores.shape
    anchors = _make_anchors(H, W)              # (9,H,W,4)
    keep = _keep_mask(anchors, H)              # (9,H,W) bool
    A = NUM_ANCHORS * H * W
    anc = anchors.reshape(A, 4)
    keepf = keep.reshape(A)

    overlaps = jax.vmap(lambda g: _iou(anc, g))(gt_boxes)   # (B, A, G)
    overlaps = jnp.where(overlaps == 0.0, 1e-10, overlaps)
    max_ov = jnp.max(overlaps, axis=2)                       # (B, A)

    labels = jnp.full((B, A), -1.0, dtype=jnp.float32)
    labels = jnp.where(max_ov >= RPN_POSITIVE_OVERLAP, 1.0, labels)
    labels = jnp.where(max_ov <= RPN_NEGATIVE_OVERLAP, 0.0, labels)
    labels = jnp.where(keepf[None, :], labels, -1.0)

    total_rois = 256
    num_fg = total_rois // 3
    num_bg = total_rois * 2 // 3
    is_bg = labels == 0.0
    bg_rank = jnp.cumsum(is_bg.astype(jnp.int32), axis=1)
    labels = jnp.where(is_bg & (bg_rank > num_bg), -1.0, labels)
    is_fg = labels == 1.0
    fg_rank = jnp.cumsum(is_fg.astype(jnp.int32), axis=1)
    labels = jnp.where(is_fg & (fg_rank > num_fg), -1.0, labels)

    targets = jnp.zeros((B, A, 4), dtype=jnp.float32)

    # scatter-overwrite into dense per-anchor output grids
    idx = jnp.arange(A)
    label_op = jnp.full((B, A, 1), -1.0, dtype=jnp.float32)
    label_op = label_op.at[:, idx, 0].set(jnp.where(keepf[None, :], labels, -1.0))
    target_op = jnp.zeros((B, A, 4), dtype=jnp.float32)
    target_op = target_op.at[:, idx, :].set(jnp.where(keepf[None, :, None], targets, 0.0))

    label_op = label_op.reshape(B, NUM_ANCHORS, H, W, 1)
    target_op = target_op.reshape(B, NUM_ANCHORS, H, W, 4)
    return (label_op, target_op)

if __name__ == "__main__":
    import jax
    _d = setup_inputs()
    print(jax.jit(kernel)(*tuple(_d.values())))

</pallas_src>

<mosaic_0001>
#map = affine_map<(d0, d1) -> (0)>
module attributes {stable_mosaic.version = 14 : i64} {
  func.func @bal(%arg0: i32, %arg1: i32, %arg2: memref<589824xf32, #tpu.memory_space<hbm>>, %arg3: memref<589824xf32, #tpu.memory_space<hbm>>, %arg4: memref<36864xf32, #tpu.memory_space<vmem>>, %arg5: memref<!tpu.dma_semaphore, #tpu.memory_space<semaphore_mem>>) attributes {dimension_semantics = [#tpu.dimension_semantics<core_parallel>, #tpu.dimension_semantics<subcore_parallel>], iteration_bounds = array<i64: 2, 16>, scalar_prefetch = 0 : i64, scratch_operands = 2 : i64, tpu.core_type = #tpu.core_type<sc_vector_subcore>, window_params = [{transform_indices = #map}, {transform_indices = #map}]} {
    %mul3A = arith.constant 2 : i32
    %mul3A_0 = arith.muli %arg1, %mul3A : i32
    %add3A = arith.addi %mul3A_0, %arg0 : i32
    %lt3A = arith.constant 16 : i32
    %lt3A_1 = arith.cmpi slt, %add3A, %lt3A : i32
    %convert_element_type3A = arith.extui %lt3A_1 : i1 to i32
    %cond3A = arith.constant 0 : i32
    %cond3A_2 = arith.cmpi ne, %convert_element_type3A, %cond3A : i32
    scf.if %cond3A_2 {
      %mul3A_3 = arith.constant 36864 : i32
      %mul3A_4 = arith.muli %add3A, %mul3A_3 : i32
      %dma_start3A = tpu.memref_slice %arg2[%mul3A_4] : memref<589824xf32, #tpu.memory_space<hbm>> -> memref<36864xf32, #tpu.memory_space<hbm>>
      %dma_start3A_5 = tpu.memref_slice %arg2[%mul3A_4] : memref<589824xf32, #tpu.memory_space<hbm>> -> memref<36864xf32, #tpu.memory_space<hbm>>
      tpu.enqueue_dma source(%dma_start3A_5 : memref<36864xf32, #tpu.memory_space<hbm>>) target(%arg4 : memref<36864xf32, #tpu.memory_space<vmem>>) target_semaphore(%arg5 : memref<!tpu.dma_semaphore, #tpu.memory_space<semaphore_mem>>)
      %dma_wait3A = tpu.memref_slice %arg2[%mul3A_4] : memref<589824xf32, #tpu.memory_space<hbm>> -> memref<36864xf32, #tpu.memory_space<hbm>>
      %dma_wait3A_6 = tpu.memref_slice %arg2[%mul3A_4] : memref<589824xf32, #tpu.memory_space<hbm>> -> memref<36864xf32, #tpu.memory_space<hbm>>
      tpu.wait_dma2 semaphore(%arg5 : memref<!tpu.dma_semaphore, #tpu.memory_space<semaphore_mem>>) src(%dma_wait3A_6 : memref<36864xf32, #tpu.memory_space<hbm>>) dst(%arg4 : memref<36864xf32, #tpu.memory_space<vmem>>)
      %scan3A = arith.constant 0.000000e+00 : f32
      %scan3A_7 = arith.constant 0.000000e+00 : f32
      %scan3A_8 = arith.constant 0 : i32
      %scan3A_9 = arith.constant 2304 : i32
      %scan3A_10 = arith.addi %scan3A_8, %scan3A_9 : i32
      %scan3A_11 = arith.constant 4 : i32
      %scan3A_12:2 = scf.for %scan3A_18 = %scan3A_8 to %scan3A_10 step %scan3A_11 iter_args(%scan3A_19 = %scan3A, %scan3A_20 = %scan3A_7) -> (f32, f32)  : i32 {
        %mul3A_21 = arith.constant 16 : i32
        %mul3A_22 = arith.muli %scan3A_18, %mul3A_21 : i32
        %get3A = arith.index_cast %mul3A_22 : i32 to index
        %get3A_23 = tpu.vector_load %arg4[%get3A] {strides = array<i32>} : memref<36864xf32, #tpu.memory_space<vmem>>, vector<16xf32>,
        %ge3A = arith.constant 1.78431368 : f32
        %ge3A_24 = vector.broadcast %ge3A : f32 to vector<16xf32>
        %ge3A_25 = arith.cmpf oge, %get3A_23, %ge3A_24 : vector<16xf32>
        %le3A = arith.constant 1.000000e+00 : f32
        %le3A_26 = vector.broadcast %le3A : f32 to vector<16xf32>
        %le3A_27 = arith.cmpf ole, %get3A_23, %le3A_26 : vector<16xf32>
        %jit3A = arith.constant 1.000000e+00 : f32
        %jit3A_28 = arith.constant 0.000000e+00 : f32
        %broadcast_in_dim3A = vector.broadcast %jit3A : f32 to vector<16xf32>
        %broadcast_in_dim3A_29 = vector.broadcast %jit3A_28 : f32 to vector<16xf32>
        %select_n3A = arith.select %ge3A_25, %broadcast_in_dim3A, %broadcast_in_dim3A_29 : vector<16xi1>, vector<16xf32>
        %jit3A_30 = arith.constant 1.000000e+00 : f32
        %jit3A_31 = arith.constant 0.000000e+00 : f32
        %broadcast_in_dim3A_32 = vector.broadcast %jit3A_30 : f32 to vector<16xf32>
        %broadcast_in_dim3A_33 = vector.broadcast %jit3A_31 : f32 to vector<16xf32>
        %select_n3A_34 = arith.select %le3A_27, %broadcast_in_dim3A_32, %broadcast_in_dim3A_33 : vector<16xi1>, vector<16xf32>
        %broadcast_in_dim3A_35 = arith.constant true
        %broadcast_in_dim3A_36 = vector.broadcast %broadcast_in_dim3A_35 : i1 to vector<16xi1>
        %masked_cumsum3A = tpu.scan <sum>, %select_n3A masked %broadcast_in_dim3A_36 : vector<16xf32>, vector<16xi1> -> vector<16xf32>
        %add3A_37 = vector.broadcast %scan3A_19 : f32 to vector<16xf32>
        %add3A_38 = arith.addf %masked_cumsum3A, %add3A_37 : vector<16xf32>
        %broadcast_in_dim3A_39 = arith.constant true
        %broadcast_in_dim3A_40 = vector.broadcast %broadcast_in_dim3A_39 : i1 to vector<16xi1>
        %masked_cumsum3A_41 = tpu.scan <sum>, %select_n3A_34 masked %broadcast_in_dim3A_40 : vector<16xf32>, vector<16xi1> -> vector<16xf32>
        %add3A_42 = vector.broadcast %scan3A_20 : f32 to vector<16xf32>
        %add3A_43 = arith.addf %masked_cumsum3A_41, %add3A_42 : vector<16xf32>
        %le3A_44 = arith.constant 8.500000e+01 : f32
        %le3A_45 = vector.broadcast %le3A_44 : f32 to vector<16xf32>
        %le3A_46 = arith.cmpf ole, %add3A_38, %le3A_45 : vector<16xf32>
        %and3A = arith.andi %ge3A_25, %le3A_46 : vector<16xi1>
        %le3A_47 = arith.constant 1.700000e+02 : f32
        %le3A_48 = vector.broadcast %le3A_47 : f32 to vector<16xf32>
        %le3A_49 = arith.cmpf ole, %add3A_43, %le3A_48 : vector<16xf32>
        %and3A_50 = arith.andi %le3A_27, %le3A_49 : vector<16xi1>
        %jit3A_51 = arith.constant 0.000000e+00 : f32
        %jit3A_52 = arith.constant -1.000000e+00 : f32
        %broadcast_in_dim3A_53 = vector.broadcast %jit3A_51 : f32 to vector<16xf32>
        %broadcast_in_dim3A_54 = vector.broadcast %jit3A_52 : f32 to vector<16xf32>
        %select_n3A_55 = arith.select %and3A_50, %broadcast_in_dim3A_53, %broadcast_in_dim3A_54 : vector<16xi1>, vector<16xf32>
        %jit3A_56 = arith.constant 1.000000e+00 : f32
        %broadcast_in_dim3A_57 = vector.broadcast %jit3A_56 : f32 to vector<16xf32>
        %select_n3A_58 = arith.select %and3A, %broadcast_in_dim3A_57, %select_n3A_55 : vector<16xi1>, vector<16xf32>
        %mul3A_59 = arith.constant 16 : i32
        %mul3A_60 = arith.muli %scan3A_18, %mul3A_59 : i32
        %swap3A = arith.index_cast %mul3A_60 : i32 to index
        %swap3A_61 = tpu.vector_load %arg4[%swap3A] {strides = array<i32>} : memref<36864xf32, #tpu.memory_space<vmem>>, vector<16xf32>,
        tpu.vector_store %arg4[%swap3A], %select_n3A_58 {strides = array<i32>} : memref<36864xf32, #tpu.memory_space<vmem>>, vector<16xf32>,
        %reduce_sum3A = arith.constant true
        %reduce_sum3A_62 = vector.broadcast %reduce_sum3A : i1 to vector<16xi1>
        %reduce_sum3A_63 = tpu.scan <sum>, %select_n3A masked %reduce_sum3A_62 : vector<16xf32>, vector<16xi1> -> vector<16xf32>
        %reduce_sum3A_64 = vector.extract %reduce_sum3A_63[15] : f32 from vector<16xf32>
        %add3A_65 = arith.addf %scan3A_19, %reduce_sum3A_64 : f32
        %reduce_sum3A_66 = arith.constant true
        %reduce_sum3A_67 = vector.broadcast %reduce_sum3A_66 : i1 to vector<16xi1>
        %reduce_sum3A_68 = tpu.scan <sum>, %select_n3A_34 masked %reduce_sum3A_67 : vector<16xf32>, vector<16xi1> -> vector<16xf32>
        %reduce_sum3A_69 = vector.extract %reduce_sum3A_68[15] : f32 from vector<16xf32>
        %add3A_70 = arith.addf %scan3A_20, %reduce_sum3A_69 : f32
        %scan3A_71 = arith.constant 1 : i32
        %scan3A_72 = arith.addi %scan3A_18, %scan3A_71 : i32
        %mul3A_73 = arith.constant 16 : i32
        %mul3A_74 = arith.muli %scan3A_72, %mul3A_73 : i32
        %get3A_75 = arith.index_cast %mul3A_74 : i32 to index
        %get3A_76 = tpu.vector_load %arg4[%get3A_75] {strides = array<i32>} : memref<36864xf32, #tpu.memory_space<vmem>>, vector<16xf32>,
        %ge3A_77 = arith.constant 1.78431368 : f32
        %ge3A_78 = vector.broadcast %ge3A_77 : f32 to vector<16xf32>
        %ge3A_79 = arith.cmpf oge, %get3A_76, %ge3A_78 : vector<16xf32>
        %le3A_80 = arith.constant 1.000000e+00 : f32
        %le3A_81 = vector.broadcast %le3A_80 : f32 to vector<16xf32>
        %le3A_82 = arith.cmpf ole, %get3A_76, %le3A_81 : vector<16xf32>
        %jit3A_83 = arith.constant 1.000000e+00 : f32
        %jit3A_84 = arith.constant 0.000000e+00 : f32
        %broadcast_in_dim3A_85 = vector.broadcast %jit3A_83 : f32 to vector<16xf32>
        %broadcast_in_dim3A_86 = vector.broadcast %jit3A_84 : f32 to vector<16xf32>
        %select_n3A_87 = arith.select %ge3A_79, %broadcast_in_dim3A_85, %broadcast_in_dim3A_86 : vector<16xi1>, vector<16xf32>
        %jit3A_88 = arith.constant 1.000000e+00 : f32
        %jit3A_89 = arith.constant 0.000000e+00 : f32
        %broadcast_in_dim3A_90 = vector.broadcast %jit3A_88 : f32 to vector<16xf32>
        %broadcast_in_dim3A_91 = vector.broadcast %jit3A_89 : f32 to vector<16xf32>
        %select_n3A_92 = arith.select %le3A_82, %broadcast_in_dim3A_90, %broadcast_in_dim3A_91 : vector<16xi1>, vector<16xf32>
        %broadcast_in_dim3A_93 = arith.constant true
        %broadcast_in_dim3A_94 = vector.broadcast %broadcast_in_dim3A_93 : i1 to vector<16xi1>
        %masked_cumsum3A_95 = tpu.scan <sum>, %select_n3A_87 masked %broadcast_in_dim3A_94 : vector<16xf32>, vector<16xi1> -> vector<16xf32>
        %add3A_96 = vector.broadcast %add3A_65 : f32 to vector<16xf32>
        %add3A_97 = arith.addf %masked_cumsum3A_95, %add3A_96 : vector<16xf32>
        %broadcast_in_dim3A_98 = arith.constant true
        %broadcast_in_dim3A_99 = vector.broadcast %broadcast_in_dim3A_98 : i1 to vector<16xi1>
        %masked_cumsum3A_100 = tpu.scan <sum>, %select_n3A_92 masked %broadcast_in_dim3A_99 : vector<16xf32>, vector<16xi1> -> vector<16xf32>
        %add3A_101 = vector.broadcast %add3A_70 : f32 to vector<16xf32>
        %add3A_102 = arith.addf %masked_cumsum3A_100, %add3A_101 : vector<16xf32>
        %le3A_103 = arith.constant 8.500000e+01 : f32
        %le3A_104 = vector.broadcast %le3A_103 : f32 to vector<16xf32>
        %le3A_105 = arith.cmpf ole, %add3A_97, %le3A_104 : vector<16xf32>
        %and3A_106 = arith.andi %ge3A_79, %le3A_105 : vector<16xi1>
        %le3A_107 = arith.constant 1.700000e+02 : f32
        %le3A_108 = vector.broadcast %le3A_107 : f32 to vector<16xf32>
        %le3A_109 = arith.cmpf ole, %add3A_102, %le3A_108 : vector<16xf32>
        %and3A_110 = arith.andi %le3A_82, %le3A_109 : vector<16xi1>
        %jit3A_111 = arith.constant 0.000000e+00 : f32
        %jit3A_112 = arith.constant -1.000000e+00 : f32
        %broadcast_in_dim3A_113 = vector.broadcast %jit3A_111 : f32 to vector<16xf32>
        %broadcast_in_dim3A_114 = vector.broadcast %jit3A_112 : f32 to vector<16xf32>
        %select_n3A_115 = arith.select %and3A_110, %broadcast_in_dim3A_113, %broadcast_in_dim3A_114 : vector<16xi1>, vector<16xf32>
        %jit3A_116 = arith.constant 1.000000e+00 : f32
        %broadcast_in_dim3A_117 = vector.broadcast %jit3A_116 : f32 to vector<16xf32>
        %select_n3A_118 = arith.select %and3A_106, %broadcast_in_dim3A_117, %select_n3A_115 : vector<16xi1>, vector<16xf32>
        %mul3A_119 = arith.constant 16 : i32
        %mul3A_120 = arith.muli %scan3A_72, %mul3A_119 : i32
        %swap3A_121 = arith.index_cast %mul3A_120 : i32 to index
        %swap3A_122 = tpu.vector_load %arg4[%swap3A_121] {strides = array<i32>} : memref<36864xf32, #tpu.memory_space<vmem>>, vector<16xf32>,
        tpu.vector_store %arg4[%swap3A_121], %select_n3A_118 {strides = array<i32>} : memref<36864xf32, #tpu.memory_space<vmem>>, vector<16xf32>,
        %reduce_sum3A_123 = arith.constant true
        %reduce_sum3A_124 = vector.broadcast %reduce_sum3A_123 : i1 to vector<16xi1>
        %reduce_sum3A_125 = tpu.scan <sum>, %select_n3A_87 masked %reduce_sum3A_124 : vector<16xf32>, vector<16xi1> -> vector<16xf32>
        %reduce_sum3A_126 = vector.extract %reduce_sum3A_125[15] : f32 from vector<16xf32>
        %add3A_127 = arith.addf %add3A_65, %reduce_sum3A_126 : f32
        %reduce_sum3A_128 = arith.constant true
        %reduce_sum3A_129 = vector.broadcast %reduce_sum3A_128 : i1 to vector<16xi1>
        %reduce_sum3A_130 = tpu.scan <sum>, %select_n3A_92 masked %reduce_sum3A_129 : vector<16xf32>, vector<16xi1> -> vector<16xf32>
        %reduce_sum3A_131 = vector.extract %reduce_sum3A_130[15] : f32 from vector<16xf32>
        %add3A_132 = arith.addf %add3A_70, %reduce_sum3A_131 : f32
        %scan3A_133 = arith.constant 2 : i32
        %scan3A_134 = arith.addi %scan3A_18, %scan3A_133 : i32
        %mul3A_135 = arith.constant 16 : i32
        %mul3A_136 = arith.muli %scan3A_134, %mul3A_135 : i32
        %get3A_137 = arith.index_cast %mul3A_136 : i32 to index
        %get3A_138 = tpu.vector_load %arg4[%get3A_137] {strides = array<i32>} : memref<36864xf32, #tpu.memory_space<vmem>>, vector<16xf32>,
        %ge3A_139 = arith.constant 1.78431368 : f32
        %ge3A_140 = vector.broadcast %ge3A_139 : f32 to vector<16xf32>
        %ge3A_141 = arith.cmpf oge, %get3A_138, %ge3A_140 : vector<16xf32>
        %le3A_142 = arith.constant 1.000000e+00 : f32
        %le3A_143 = vector.broadcast %le3A_142 : f32 to vector<16xf32>
        %le3A_144 = arith.cmpf ole, %get3A_138, %le3A_143 : vector<16xf32>
        %jit3A_145 = arith.constant 1.000000e+00 : f32
        %jit3A_146 = arith.constant 0.000000e+00 : f32
        %broadcast_in_dim3A_147 = vector.broadcast %jit3A_145 : f32 to vector<16xf32>
        %broadcast_in_dim3A_148 = vector.broadcast %jit3A_146 : f32 to vector<16xf32>
        %select_n3A_149 = arith.select %ge3A_141, %broadcast_in_dim3A_147, %broadcast_in_dim3A_148 : vector<16xi1>, vector<16xf32>
        %jit3A_150 = arith.constant 1.000000e+00 : f32
        %jit3A_151 = arith.constant 0.000000e+00 : f32
        %broadcast_in_dim3A_152 = vector.broadcast %jit3A_150 : f32 to vector<16xf32>
        %broadcast_in_dim3A_153 = vector.broadcast %jit3A_151 : f32 to vector<16xf32>
        %select_n3A_154 = arith.select %le3A_144, %broadcast_in_dim3A_152, %broadcast_in_dim3A_153 : vector<16xi1>, vector<16xf32>
        %broadcast_in_dim3A_155 = arith.constant true
        %broadcast_in_dim3A_156 = vector.broadcast %broadcast_in_dim3A_155 : i1 to vector<16xi1>
        %masked_cumsum3A_157 = tpu.scan <sum>, %select_n3A_149 masked %broadcast_in_dim3A_156 : vector<16xf32>, vector<16xi1> -> vector<16xf32>
        %add3A_158 = vector.broadcast %add3A_127 : f32 to vector<16xf32>
        %add3A_159 = arith.addf %masked_cumsum3A_157, %add3A_158 : vector<16xf32>
        %broadcast_in_dim3A_160 = arith.constant true
        %broadcast_in_dim3A_161 = vector.broadcast %broadcast_in_dim3A_160 : i1 to vector<16xi1>
        %masked_cumsum3A_162 = tpu.scan <sum>, %select_n3A_154 masked %broadcast_in_dim3A_161 : vector<16xf32>, vector<16xi1> -> vector<16xf32>
        %add3A_163 = vector.broadcast %add3A_132 : f32 to vector<16xf32>
        %add3A_164 = arith.addf %masked_cumsum3A_162, %add3A_163 : vector<16xf32>
        %le3A_165 = arith.constant 8.500000e+01 : f32
        %le3A_166 = vector.broadcast %le3A_165 : f32 to vector<16xf32>
        %le3A_167 = arith.cmpf ole, %add3A_159, %le3A_166 : vector<16xf32>
        %and3A_168 = arith.andi %ge3A_141, %le3A_167 : vector<16xi1>
        %le3A_169 = arith.constant 1.700000e+02 : f32
        %le3A_170 = vector.broadcast %le3A_169 : f32 to vector<16xf32>
        %le3A_171 = arith.cmpf ole, %add3A_164, %le3A_170 : vector<16xf32>
        %and3A_172 = arith.andi %le3A_144, %le3A_171 : vector<16xi1>
        %jit3A_173 = arith.constant 0.000000e+00 : f32
        %jit3A_174 = arith.constant -1.000000e+00 : f32
        %broadcast_in_dim3A_175 = vector.broadcast %jit3A_173 : f32 to vector<16xf32>
        %broadcast_in_dim3A_176 = vector.broadcast %jit3A_174 : f32 to vector<16xf32>
        %select_n3A_177 = arith.select %and3A_172, %broadcast_in_dim3A_175, %broadcast_in_dim3A_176 : vector<16xi1>, vector<16xf32>
        %jit3A_178 = arith.constant 1.000000e+00 : f32
        %broadcast_in_dim3A_179 = vector.broadcast %jit3A_178 : f32 to vector<16xf32>
        %select_n3A_180 = arith.select %and3A_168, %broadcast_in_dim3A_179, %select_n3A_177 : vector<16xi1>, vector<16xf32>
        %mul3A_181 = arith.constant 16 : i32
        %mul3A_182 = arith.muli %scan3A_134, %mul3A_181 : i32
        %swap3A_183 = arith.index_cast %mul3A_182 : i32 to index
        %swap3A_184 = tpu.vector_load %arg4[%swap3A_183] {strides = array<i32>} : memref<36864xf32, #tpu.memory_space<vmem>>, vector<16xf32>,
        tpu.vector_store %arg4[%swap3A_183], %select_n3A_180 {strides = array<i32>} : memref<36864xf32, #tpu.memory_space<vmem>>, vector<16xf32>,
        %reduce_sum3A_185 = arith.constant true
        %reduce_sum3A_186 = vector.broadcast %reduce_sum3A_185 : i1 to vector<16xi1>
        %reduce_sum3A_187 = tpu.scan <sum>, %select_n3A_149 masked %reduce_sum3A_186 : vector<16xf32>, vector<16xi1> -> vector<16xf32>
        %reduce_sum3A_188 = vector.extract %reduce_sum3A_187[15] : f32 from vector<16xf32>
        %add3A_189 = arith.addf %add3A_127, %reduce_sum3A_188 : f32
        %reduce_sum3A_190 = arith.constant true
        %reduce_sum3A_191 = vector.broadcast %reduce_sum3A_190 : i1 to vector<16xi1>
        %reduce_sum3A_192 = tpu.scan <sum>, %select_n3A_154 masked %reduce_sum3A_191 : vector<16xf32>, vector<16xi1> -> vector<16xf32>
        %reduce_sum3A_193 = vector.extract %reduce_sum3A_192[15] : f32 from vector<16xf32>
        %add3A_194 = arith.addf %add3A_132, %reduce_sum3A_193 : f32
        %scan3A_195 = arith.constant 3 : i32
        %scan3A_196 = arith.addi %scan3A_18, %scan3A_195 : i32
        %mul3A_197 = arith.constant 16 : i32
        %mul3A_198 = arith.muli %scan3A_196, %mul3A_197 : i32
        %get3A_199 = arith.index_cast %mul3A_198 : i32 to index
        %get3A_200 = tpu.vector_load %arg4[%get3A_199] {strides = array<i32>} : memref<36864xf32, #tpu.memory_space<vmem>>, vector<16xf32>,
        %ge3A_201 = arith.constant 1.78431368 : f32
        %ge3A_202 = vector.broadcast %ge3A_201 : f32 to vector<16xf32>
        %ge3A_203 = arith.cmpf oge, %get3A_200, %ge3A_202 : vector<16xf32>
        %le3A_204 = arith.constant 1.000000e+00 : f32
        %le3A_205 = vector.broadcast %le3A_204 : f32 to vector<16xf32>
        %le3A_206 = arith.cmpf ole, %get3A_200, %le3A_205 : vector<16xf32>
        %jit3A_207 = arith.constant 1.000000e+00 : f32
        %jit3A_208 = arith.constant 0.000000e+00 : f32
        %broadcast_in_dim3A_209 = vector.broadcast %jit3A_207 : f32 to vector<16xf32>
        %broadcast_in_dim3A_210 = vector.broadcast %jit3A_208 : f32 to vector<16xf32>
        %select_n3A_211 = arith.select %ge3A_203, %broadcast_in_dim3A_209, %broadcast_in_dim3A_210 : vector<16xi1>, vector<16xf32>
        %jit3A_212 = arith.constant 1.000000e+00 : f32
        %jit3A_213 = arith.constant 0.000000e+00 : f32
        %broadcast_in_dim3A_214 = vector.broadcast %jit3A_212 : f32 to vector<16xf32>
        %broadcast_in_dim3A_215 = vector.broadcast %jit3A_213 : f32 to vector<16xf32>
        %select_n3A_216 = arith.select %le3A_206, %broadcast_in_dim3A_214, %broadcast_in_dim3A_215 : vector<16xi1>, vector<16xf32>
        %broadcast_in_dim3A_217 = arith.constant true
        %broadcast_in_dim3A_218 = vector.broadcast %broadcast_in_dim3A_217 : i1 to vector<16xi1>
        %masked_cumsum3A_219 = tpu.scan <sum>, %select_n3A_211 masked %broadcast_in_dim3A_218 : vector<16xf32>, vector<16xi1> -> vector<16xf32>
        %add3A_220 = vector.broadcast %add3A_189 : f32 to vector<16xf32>
        %add3A_221 = arith.addf %masked_cumsum3A_219, %add3A_220 : vector<16xf32>
        %broadcast_in_dim3A_222 = arith.constant true
        %broadcast_in_dim3A_223 = vector.broadcast %broadcast_in_dim3A_222 : i1 to vector<16xi1>
        %masked_cumsum3A_224 = tpu.scan <sum>, %select_n3A_216 masked %broadcast_in_dim3A_223 : vector<16xf32>, vector<16xi1> -> vector<16xf32>
        %add3A_225 = vector.broadcast %add3A_194 : f32 to vector<16xf32>
        %add3A_226 = arith.addf %masked_cumsum3A_224, %add3A_225 : vector<16xf32>
        %le3A_227 = arith.constant 8.500000e+01 : f32
        %le3A_228 = vector.broadcast %le3A_227 : f32 to vector<16xf32>
        %le3A_229 = arith.cmpf ole, %add3A_221, %le3A_228 : vector<16xf32>
        %and3A_230 = arith.andi %ge3A_203, %le3A_229 : vector<16xi1>
        %le3A_231 = arith.constant 1.700000e+02 : f32
        %le3A_232 = vector.broadcast %le3A_231 : f32 to vector<16xf32>
        %le3A_233 = arith.cmpf ole, %add3A_226, %le3A_232 : vector<16xf32>
        %and3A_234 = arith.andi %le3A_206, %le3A_233 : vector<16xi1>
        %jit3A_235 = arith.constant 0.000000e+00 : f32
        %jit3A_236 = arith.constant -1.000000e+00 : f32
        %broadcast_in_dim3A_237 = vector.broadcast %jit3A_235 : f32 to vector<16xf32>
        %broadcast_in_dim3A_238 = vector.broadcast %jit3A_236 : f32 to vector<16xf32>
        %select_n3A_239 = arith.select %and3A_234, %broadcast_in_dim3A_237, %broadcast_in_dim3A_238 : vector<16xi1>, vector<16xf32>
        %jit3A_240 = arith.constant 1.000000e+00 : f32
        %broadcast_in_dim3A_241 = vector.broadcast %jit3A_240 : f32 to vector<16xf32>
        %select_n3A_242 = arith.select %and3A_230, %broadcast_in_dim3A_241, %select_n3A_239 : vector<16xi1>, vector<16xf32>
        %mul3A_243 = arith.constant 16 : i32
        %mul3A_244 = arith.muli %scan3A_196, %mul3A_243 : i32
        %swap3A_245 = arith.index_cast %mul3A_244 : i32 to index
        %swap3A_246 = tpu.vector_load %arg4[%swap3A_245] {strides = array<i32>} : memref<36864xf32, #tpu.memory_space<vmem>>, vector<16xf32>,
        tpu.vector_store %arg4[%swap3A_245], %select_n3A_242 {strides = array<i32>} : memref<36864xf32, #tpu.memory_space<vmem>>, vector<16xf32>,
        %reduce_sum3A_247 = arith.constant true
        %reduce_sum3A_248 = vector.broadcast %reduce_sum3A_247 : i1 to vector<16xi1>
        %reduce_sum3A_249 = tpu.scan <sum>, %select_n3A_211 masked %reduce_sum3A_248 : vector<16xf32>, vector<16xi1> -> vector<16xf32>
        %reduce_sum3A_250 = vector.extract %reduce_sum3A_249[15] : f32 from vector<16xf32>
        %add3A_251 = arith.addf %add3A_189, %reduce_sum3A_250 : f32
        %reduce_sum3A_252 = arith.constant true
        %reduce_sum3A_253 = vector.broadcast %reduce_sum3A_252 : i1 to vector<16xi1>
        %reduce_sum3A_254 = tpu.scan <sum>, %select_n3A_216 masked %reduce_sum3A_253 : vector<16xf32>, vector<16xi1> -> vector<16xf32>
        %reduce_sum3A_255 = vector.extract %reduce_sum3A_254[15] : f32 from vector<16xf32>
        %add3A_256 = arith.addf %add3A_194, %reduce_sum3A_255 : f32
        scf.yield %add3A_251, %add3A_256 : f32, f32
      }
      %scan3A_13 = arith.constant 2304 : i32
      %dma_start3A_14 = tpu.memref_slice %arg3[%mul3A_4] : memref<589824xf32, #tpu.memory_space<hbm>> -> memref<36864xf32, #tpu.memory_space<hbm>>
      %dma_start3A_15 = tpu.memref_slice %arg3[%mul3A_4] : memref<589824xf32, #tpu.memory_space<hbm>> -> memref<36864xf32, #tpu.memory_space<hbm>>
      tpu.enqueue_dma source(%arg4 : memref<36864xf32, #tpu.memory_space<vmem>>) target(%dma_start3A_15 : memref<36864xf32, #tpu.memory_space<hbm>>) target_semaphore(%arg5 : memref<!tpu.dma_semaphore, #tpu.memory_space<semaphore_mem>>)
      %dma_wait3A_16 = tpu.memref_slice %arg3[%mul3A_4] : memref<589824xf32, #tpu.memory_space<hbm>> -> memref<36864xf32, #tpu.memory_space<hbm>>
      %dma_wait3A_17 = tpu.memref_slice %arg3[%mul3A_4] : memref<589824xf32, #tpu.memory_space<hbm>> -> memref<36864xf32, #tpu.memory_space<hbm>>
      tpu.wait_dma2 semaphore(%arg5 : memref<!tpu.dma_semaphore, #tpu.memory_space<semaphore_mem>>) src(%arg4 : memref<36864xf32, #tpu.memory_space<vmem>>) dst(%dma_wait3A_17 : memref<36864xf32, #tpu.memory_space<hbm>>)
    } else {
    }
    return
  }
}

module attributes {stable_mosaic.version = 14 : i64} {
  func.func @_body(%arg0: i32, %arg1: memref<1x8x64xf32, #tpu.memory_space<smem>>, %arg2: memref<1x16x64xf32, #tpu.memory_space<smem>>, %arg3: memref<288x128xf32, #tpu.memory_space<vmem>>, %arg4: memref<288x128xf32, #tpu.memory_space<vmem>>, %arg5: memref<288x128xf32, #tpu.memory_space<vmem>>, %arg6: memref<16x128xf32, #tpu.memory_space<vmem>>, %arg7: memref<16x128xf32, #tpu.memory_space<vmem>>, %arg8: memref<1x288x128xf32, #tpu.memory_space<vmem>>, %arg9: memref<288x128xf32, #tpu.memory_space<vmem>>) attributes {dimension_semantics = [#tpu.dimension_semantics<parallel>], iteration_bounds = array<i64: 16>, scalar_prefetch = 0 : i64, scratch_operands = 1 : i64, tpu.core_type = #tpu.core_type<tc>, window_params = [{transform_indices = @transform_0, window_bounds = array<i64: 1, 8, 64>}, {transform_indices = @transform_1, window_bounds = array<i64: 1, 16, 64>}, {pipeline_mode = #tpu.pipeline_mode<synchronous>, transform_indices = @transform_2, window_bounds = array<i64: 288, 128>}, {pipeline_mode = #tpu.pipeline_mode<synchronous>, transform_indices = @transform_3, window_bounds = array<i64: 288, 128>}, {pipeline_mode = #tpu.pipeline_mode<synchronous>, transform_indices = @transform_4, window_bounds = array<i64: 288, 128>}, {pipeline_mode = #tpu.pipeline_mode<synchronous>, transform_indices = @transform_5, window_bounds = array<i64: 16, 128>}, {pipeline_mode = #tpu.pipeline_mode<synchronous>, transform_indices = @transform_6, window_bounds = array<i64: 16, 128>}, {transform_indices = @transform_7, window_bounds = array<i64: 1, 288, 128>}]} {
    %scan3A = arith.constant 0 : i32
    %scan3A_0 = arith.constant 9 : i32
    %scan3A_1 = arith.addi %scan3A, %scan3A_0 : i32
    %scan3A_2 = arith.constant 1 : i32
    scf.for %scan3A_16 = %scan3A to %scan3A_1 step %scan3A_2  : i32 {
      %mul3A = arith.constant 32 : i32
      %mul3A_17 = arith.muli %scan3A_16, %mul3A : i32
      %get3A_18 = arith.index_cast %mul3A_17 : i32 to index
      %get3A_19 = arith.constant 0 : index
      %get3A_20 = vector.load %arg3[%get3A_18, %get3A_19] : memref<288x128xf32, #tpu.memory_space<vmem>>, vector<32x128xf32>
      %get3A_21 = arith.index_cast %mul3A_17 : i32 to index
      %get3A_22 = arith.constant 0 : index
      %get3A_23 = vector.load %arg4[%get3A_21, %get3A_22] : memref<288x128xf32, #tpu.memory_space<vmem>>, vector<32x128xf32>
      %get3A_24 = arith.index_cast %scan3A_16 : i32 to index
      %get3A_25 = arith.constant 0 : index
      %get3A_26 = vector.load %arg6[%get3A_24, %get3A_25] : memref<16x128xf32, #tpu.memory_space<vmem>>, vector<1x128xf32>
      %get3A_27 = arith.index_cast %scan3A_16 : i32 to index
      %get3A_28 = arith.constant 0 : index
      %get3A_29 = vector.load %arg7[%get3A_27, %get3A_28] : memref<16x128xf32, #tpu.memory_space<vmem>>, vector<1x128xf32>
      %broadcast_in_dim3A_30 = arith.constant 0.000000e+00 : f32
      %broadcast_in_dim3A_31 = vector.broadcast %broadcast_in_dim3A_30 : f32 to vector<32x128xf32>
      %scan3A_32 = arith.constant 0 : i32
      %scan3A_33 = arith.constant 50 : i32
      %scan3A_34 = arith.addi %scan3A_32, %scan3A_33 : i32
      %scan3A_35 = arith.constant 5 : i32
      %scan3A_36 = scf.for %scan3A_41 = %scan3A_32 to %scan3A_34 step %scan3A_35 iter_args(%scan3A_42 = %broadcast_in_dim3A_31) -> (vector<32x128xf32>)  : i32 {
        %get3A_43 = arith.constant 0 : index
        %get3A_44 = arith.constant 0 : index
        %get3A_45 = arith.index_cast %scan3A_41 : i32 to index
        %get3A_46 = memref.load %arg1[%get3A_43, %get3A_44, %get3A_45] : memref<1x8x64xf32, #tpu.memory_space<smem>>
        %get3A_47 = arith.constant 0 : index
        %get3A_48 = arith.constant 1 : index
        %get3A_49 = arith.index_cast %scan3A_41 : i32 to index
        %get3A_50 = memref.load %arg1[%get3A_47, %get3A_48, %get3A_49] : memref<1x8x64xf32, #tpu.memory_space<smem>>
        %get3A_51 = arith.constant 0 : index
        %get3A_52 = arith.constant 2 : index
        %get3A_53 = arith.index_cast %scan3A_41 : i32 to index
        %get3A_54 = memref.load %arg1[%get3A_51, %get3A_52, %get3A_53] : memref<1x8x64xf32, #tpu.memory_space<smem>>
        %get3A_55 = arith.constant 0 : index
        %get3A_56 = arith.constant 3 : index
        %get3A_57 = arith.index_cast %scan3A_41 : i32 to index
        %get3A_58 = memref.load %arg1[%get3A_55, %get3A_56, %get3A_57] : memref<1x8x64xf32, #tpu.memory_space<smem>>
        %get3A_59 = arith.constant 0 : index
        %get3A_60 = arith.index_cast %scan3A_16 : i32 to index
        %get3A_61 = arith.index_cast %scan3A_41 : i32 to index
        %get3A_62 = memref.load %arg2[%get3A_59, %get3A_60, %get3A_61] : memref<1x16x64xf32, #tpu.memory_space<smem>>
        %min3A = vector.broadcast %get3A_54 : f32 to vector<1x128xf32>
        %min3A_63 = arith.minimumf %get3A_29, %min3A : vector<1x128xf32>
        %max3A = vector.broadcast %get3A_46 : f32 to vector<1x128xf32>
        %max3A_64 = arith.maximumf %get3A_26, %max3A : vector<1x128xf32>
        %sub3A = arith.subf %min3A_63, %max3A_64 : vector<1x128xf32>
        %max3A_65 = arith.constant 0.000000e+00 : f32
        %max3A_66 = vector.broadcast %max3A_65 : f32 to vector<1x128xf32>
        %max3A_67 = arith.maximumf %sub3A, %max3A_66 : vector<1x128xf32>
        %min3A_68 = vector.broadcast %get3A_58 : f32 to vector<32x128xf32>
        %min3A_69 = arith.minimumf %get3A_23, %min3A_68 : vector<32x128xf32>
        %max3A_70 = vector.broadcast %get3A_50 : f32 to vector<32x128xf32>
        %max3A_71 = arith.maximumf %get3A_20, %max3A_70 : vector<32x128xf32>
        %sub3A_72 = arith.subf %min3A_69, %max3A_71 : vector<32x128xf32>
        %max3A_73 = arith.constant 0.000000e+00 : f32
        %max3A_74 = vector.broadcast %max3A_73 : f32 to vector<32x128xf32>
        %max3A_75 = arith.maximumf %sub3A_72, %max3A_74 : vector<32x128xf32>
        %mul3A_76 = vector.broadcast %max3A_67 : vector<1x128xf32> to vector<32x128xf32>
        %mul3A_77 = arith.mulf %max3A_75, %mul3A_76 : vector<32x128xf32>
        %mul3A_78 = vector.broadcast %get3A_62 : f32 to vector<32x128xf32>
        %mul3A_79 = arith.mulf %mul3A_77, %mul3A_78 : vector<32x128xf32>
        %max3A_80 = arith.maximumf %scan3A_42, %mul3A_79 : vector<32x128xf32>
        %scan3A_81 = arith.constant 1 : i32
        %scan3A_82 = arith.addi %scan3A_41, %scan3A_81 : i32
        %get3A_83 = arith.constant 0 : index
        %get3A_84 = arith.constant 0 : index
        %get3A_85 = arith.index_cast %scan3A_82 : i32 to index
        %get3A_86 = memref.load %arg1[%get3A_83, %get3A_84, %get3A_85] : memref<1x8x64xf32, #tpu.memory_space<smem>>
        %get3A_87 = arith.constant 0 : index
        %get3A_88 = arith.constant 1 : index
        %get3A_89 = arith.index_cast %scan3A_82 : i32 to index
        %get3A_90 = memref.load %arg1[%get3A_87, %get3A_88, %get3A_89] : memref<1x8x64xf32, #tpu.memory_space<smem>>
        %get3A_91 = arith.constant 0 : index
        %get3A_92 = arith.constant 2 : index
        %get3A_93 = arith.index_cast %scan3A_82 : i32 to index
        %get3A_94 = memref.load %arg1[%get3A_91, %get3A_92, %get3A_93] : memref<1x8x64xf32, #tpu.memory_space<smem>>
        %get3A_95 = arith.constant 0 : index
        %get3A_96 = arith.constant 3 : index
        %get3A_97 = arith.index_cast %scan3A_82 : i32 to index
        %get3A_98 = memref.load %arg1[%get3A_95, %get3A_96, %get3A_97] : memref<1x8x64xf32, #tpu.memory_space<smem>>
        %get3A_99 = arith.constant 0 : index
        %get3A_100 = arith.index_cast %scan3A_16 : i32 to index
        %get3A_101 = arith.index_cast %scan3A_82 : i32 to index
        %get3A_102 = memref.load %arg2[%get3A_99, %get3A_100, %get3A_101] : memref<1x16x64xf32, #tpu.memory_space<smem>>
        %min3A_103 = vector.broadcast %get3A_94 : f32 to vector<1x128xf32>
        %min3A_104 = arith.minimumf %get3A_29, %min3A_103 : vector<1x128xf32>
        %max3A_105 = vector.broadcast %get3A_86 : f32 to vector<1x128xf32>
        %max3A_106 = arith.maximumf %get3A_26, %max3A_105 : vector<1x128xf32>
        %sub3A_107 = arith.subf %min3A_104, %max3A_106 : vector<1x128xf32>
        %max3A_108 = arith.constant 0.000000e+00 : f32
        %max3A_109 = vector.broadcast %max3A_108 : f32 to vector<1x128xf32>
        %max3A_110 = arith.maximumf %sub3A_107, %max3A_109 : vector<1x128xf32>
        %min3A_111 = vector.broadcast %get3A_98 : f32 to vector<32x128xf32>
        %min3A_112 = arith.minimumf %get3A_23, %min3A_111 : vector<32x128xf32>
        %max3A_113 = vector.broadcast %get3A_90 : f32 to vector<32x128xf32>
        %max3A_114 = arith.maximumf %get3A_20, %max3A_113 : vector<32x128xf32>
        %sub3A_115 = arith.subf %min3A_112, %max3A_114 : vector<32x128xf32>
        %max3A_116 = arith.constant 0.000000e+00 : f32
        %max3A_117 = vector.broadcast %max3A_116 : f32 to vector<32x128xf32>
        %max3A_118 = arith.maximumf %sub3A_115, %max3A_117 : vector<32x128xf32>
        %mul3A_119 = vector.broadcast %max3A_110 : vector<1x128xf32> to vector<32x128xf32>
        %mul3A_120 = arith.mulf %max3A_118, %mul3A_119 : vector<32x128xf32>
        %mul3A_121 = vector.broadcast %get3A_102 : f32 to vector<32x128xf32>
        %mul3A_122 = arith.mulf %mul3A_120, %mul3A_121 : vector<32x128xf32>
        %max3A_123 = arith.maximumf %max3A_80, %mul3A_122 : vector<32x128xf32>
        %scan3A_124 = arith.constant 2 : i32
        %scan3A_125 = arith.addi %scan3A_41, %scan3A_124 : i32
        %get3A_126 = arith.constant 0 : index
        %get3A_127 = arith.constant 0 : index
        %get3A_128 = arith.index_cast %scan3A_125 : i32 to index
        %get3A_129 = memref.load %arg1[%get3A_126, %get3A_127, %get3A_128] : memref<1x8x64xf32, #tpu.memory_space<smem>>
        %get3A_130 = arith.constant 0 : index
        %get3A_131 = arith.constant 1 : index
        %get3A_132 = arith.index_cast %scan3A_125 : i32 to index
        %get3A_133 = memref.load %arg1[%get3A_130, %get3A_131, %get3A_132] : memref<1x8x64xf32, #tpu.memory_space<smem>>
        %get3A_134 = arith.constant 0 : index
        %get3A_135 = arith.constant 2 : index
        %get3A_136 = arith.index_cast %scan3A_125 : i32 to index
        %get3A_137 = memref.load %arg1[%get3A_134, %get3A_135, %get3A_136] : memref<1x8x64xf32, #tpu.memory_space<smem>>
        %get3A_138 = arith.constant 0 : index
        %get3A_139 = arith.constant 3 : index
        %get3A_140 = arith.index_cast %scan3A_125 : i32 to index
        %get3A_141 = memref.load %arg1[%get3A_138, %get3A_139, %get3A_140] : memref<1x8x64xf32, #tpu.memory_space<smem>>
        %get3A_142 = arith.constant 0 : index
        %get3A_143 = arith.index_cast %scan3A_16 : i32 to index
        %get3A_144 = arith.index_cast %scan3A_125 : i32 to index
        %get3A_145 = memref.load %arg2[%get3A_142, %get3A_143, %get3A_144] : memref<1x16x64xf32, #tpu.memory_space<smem>>
        %min3A_146 = vector.broadcast %get3A_137 : f32 to vector<1x128xf32>
        %min3A_147 = arith.minimumf %get3A_29, %min3A_146 : vector<1x128xf32>
        %max3A_148 = vector.broadcast %get3A_129 : f32 to vector<1x128xf32>
        %max3A_149 = arith.maximumf %get3A_26, %max3A_148 : vector<1x128xf32>
        %sub3A_150 = arith.subf %min3A_147, %max3A_149 : vector<1x128xf32>
        %max3A_151 = arith.constant 0.000000e+00 : f32
        %max3A_152 = vector.broadcast %max3A_151 : f32 to vector<1x128xf32>
        %max3A_153 = arith.maximumf %sub3A_150, %max3A_152 : vector<1x128xf32>
        %min3A_154 = vector.broadcast %get3A_141 : f32 to vector<32x128xf32>
        %min3A_155 = arith.minimumf %get3A_23, %min3A_154 : vector<32x128xf32>
        %max3A_156 = vector.broadcast %get3A_133 : f32 to vector<32x128xf32>
        %max3A_157 = arith.maximumf %get3A_20, %max3A_156 : vector<32x128xf32>
        %sub3A_158 = arith.subf %min3A_155, %max3A_157 : vector<32x128xf32>
        %max3A_159 = arith.constant 0.000000e+00 : f32
        %max3A_160 = vector.broadcast %max3A_159 : f32 to vector<32x128xf32>
        %max3A_161 = arith.maximumf %sub3A_158, %max3A_160 : vector<32x128xf32>
        %mul3A_162 = vector.broadcast %max3A_153 : vector<1x128xf32> to vector<32x128xf32>
        %mul3A_163 = arith.mulf %max3A_161, %mul3A_162 : vector<32x128xf32>
        %mul3A_164 = vector.broadcast %get3A_145 : f32 to vector<32x128xf32>
        %mul3A_165 = arith.mulf %mul3A_163, %mul3A_164 : vector<32x128xf32>
        %max3A_166 = arith.maximumf %max3A_123, %mul3A_165 : vector<32x128xf32>
        %scan3A_167 = arith.constant 3 : i32
        %scan3A_168 = arith.addi %scan3A_41, %scan3A_167 : i32
        %get3A_169 = arith.constant 0 : index
        %get3A_170 = arith.constant 0 : index
        %get3A_171 = arith.index_cast %scan3A_168 : i32 to index
        %get3A_172 = memref.load %arg1[%get3A_169, %get3A_170, %get3A_171] : memref<1x8x64xf32, #tpu.memory_space<smem>>
        %get3A_173 = arith.constant 0 : index
        %get3A_174 = arith.constant 1 : index
        %get3A_175 = arith.index_cast %scan3A_168 : i32 to index
        %get3A_176 = memref.load %arg1[%get3A_173, %get3A_174, %get3A_175] : memref<1x8x64xf32, #tpu.memory_space<smem>>
        %get3A_177 = arith.constant 0 : index
        %get3A_178 = arith.constant 2 : index
        %get3A_179 = arith.index_cast %scan3A_168 : i32 to index
        %get3A_180 = memref.load %arg1[%get3A_177, %get3A_178, %get3A_179] : memref<1x8x64xf32, #tpu.memory_space<smem>>
        %get3A_181 = arith.constant 0 : index
        %get3A_182 = arith.constant 3 : index
        %get3A_183 = arith.index_cast %scan3A_168 : i32 to index
        %get3A_184 = memref.load %arg1[%get3A_181, %get3A_182, %get3A_183] : memref<1x8x64xf32, #tpu.memory_space<smem>>
        %get3A_185 = arith.constant 0 : index
        %get3A_186 = arith.index_cast %scan3A_16 : i32 to index
        %get3A_187 = arith.index_cast %scan3A_168 : i32 to index
        %get3A_188 = memref.load %arg2[%get3A_185, %get3A_186, %get3A_187] : memref<1x16x64xf32, #tpu.memory_space<smem>>
        %min3A_189 = vector.broadcast %get3A_180 : f32 to vector<1x128xf32>
        %min3A_190 = arith.minimumf %get3A_29, %min3A_189 : vector<1x128xf32>
        %max3A_191 = vector.broadcast %get3A_172 : f32 to vector<1x128xf32>
        %max3A_192 = arith.maximumf %get3A_26, %max3A_191 : vector<1x128xf32>
        %sub3A_193 = arith.subf %min3A_190, %max3A_192 : vector<1x128xf32>
        %max3A_194 = arith.constant 0.000000e+00 : f32
        %max3A_195 = vector.broadcast %max3A_194 : f32 to vector<1x128xf32>
        %max3A_196 = arith.maximumf %sub3A_193, %max3A_195 : vector<1x128xf32>
        %min3A_197 = vector.broadcast %get3A_184 : f32 to vector<32x128xf32>
        %min3A_198 = arith.minimumf %get3A_23, %min3A_197 : vector<32x128xf32>
        %max3A_199 = vector.broadcast %get3A_176 : f32 to vector<32x128xf32>
        %max3A_200 = arith.maximumf %get3A_20, %max3A_199 : vector<32x128xf32>
        %sub3A_201 = arith.subf %min3A_198, %max3A_200 : vector<32x128xf32>
        %max3A_202 = arith.constant 0.000000e+00 : f32
        %max3A_203 = vector.broadcast %max3A_202 : f32 to vector<32x128xf32>
        %max3A_204 = arith.maximumf %sub3A_201, %max3A_203 : vector<32x128xf32>
        %mul3A_205 = vector.broadcast %max3A_196 : vector<1x128xf32> to vector<32x128xf32>
        %mul3A_206 = arith.mulf %max3A_204, %mul3A_205 : vector<32x128xf32>
        %mul3A_207 = vector.broadcast %get3A_188 : f32 to vector<32x128xf32>
        %mul3A_208 = arith.mulf %mul3A_206, %mul3A_207 : vector<32x128xf32>
        %max3A_209 = arith.maximumf %max3A_166, %mul3A_208 : vector<32x128xf32>
        %scan3A_210 = arith.constant 4 : i32
        %scan3A_211 = arith.addi %scan3A_41, %scan3A_210 : i32
        %get3A_212 = arith.constant 0 : index
        %get3A_213 = arith.constant 0 : index
        %get3A_214 = arith.index_cast %scan3A_211 : i32 to index
        %get3A_215 = memref.load %arg1[%get3A_212, %get3A_213, %get3A_214] : memref<1x8x64xf32, #tpu.memory_space<smem>>
        %get3A_216 = arith.constant 0 : index
        %get3A_217 = arith.constant 1 : index
        %get3A_218 = arith.index_cast %scan3A_211 : i32 to index
        %get3A_219 = memref.load %arg1[%get3A_216, %get3A_217, %get3A_218] : memref<1x8x64xf32, #tpu.memory_space<smem>>
        %get3A_220 = arith.constant 0 : index
        %get3A_221 = arith.constant 2 : index
        %get3A_222 = arith.index_cast %scan3A_211 : i32 to index
        %get3A_223 = memref.load %arg1[%get3A_220, %get3A_221, %get3A_222] : memref<1x8x64xf32, #tpu.memory_space<smem>>
        %get3A_224 = arith.constant 0 : index
        %get3A_225 = arith.constant 3 : index
        %get3A_226 = arith.index_cast %scan3A_211 : i32 to index
        %get3A_227 = memref.load %arg1[%get3A_224, %get3A_225, %get3A_226] : memref<1x8x64xf32, #tpu.memory_space<smem>>
        %get3A_228 = arith.constant 0 : index
        %get3A_229 = arith.index_cast %scan3A_16 : i32 to index
        %get3A_230 = arith.index_cast %scan3A_211 : i32 to index
        %get3A_231 = memref.load %arg2[%get3A_228, %get3A_229, %get3A_230] : memref<1x16x64xf32, #tpu.memory_space<smem>>
        %min3A_232 = vector.broadcast %get3A_223 : f32 to vector<1x128xf32>
        %min3A_233 = arith.minimumf %get3A_29, %min3A_232 : vector<1x128xf32>
        %max3A_234 = vector.broadcast %get3A_215 : f32 to vector<1x128xf32>
        %max3A_235 = arith.maximumf %get3A_26, %max3A_234 : vector<1x128xf32>
        %sub3A_236 = arith.subf %min3A_233, %max3A_235 : vector<1x128xf32>
        %max3A_237 = arith.constant 0.000000e+00 : f32
        %max3A_238 = vector.broadcast %max3A_237 : f32 to vector<1x128xf32>
        %max3A_239 = arith.maximumf %sub3A_236, %max3A_238 : vector<1x128xf32>
        %min3A_240 = vector.broadcast %get3A_227 : f32 to vector<32x128xf32>
        %min3A_241 = arith.minimumf %get3A_23, %min3A_240 : vector<32x128xf32>
        %max3A_242 = vector.broadcast %get3A_219 : f32 to vector<32x128xf32>
        %max3A_243 = arith.maximumf %get3A_20, %max3A_242 : vector<32x128xf32>
        %sub3A_244 = arith.subf %min3A_241, %max3A_243 : vector<32x128xf32>
        %max3A_245 = arith.constant 0.000000e+00 : f32
        %max3A_246 = vector.broadcast %max3A_245 : f32 to vector<32x128xf32>
        %max3A_247 = arith.maximumf %sub3A_244, %max3A_246 : vector<32x128xf32>
        %mul3A_248 = vector.broadcast %max3A_239 : vector<1x128xf32> to vector<32x128xf32>
        %mul3A_249 = arith.mulf %max3A_247, %mul3A_248 : vector<32x128xf32>
        %mul3A_250 = vector.broadcast %get3A_231 : f32 to vector<32x128xf32>
        %mul3A_251 = arith.mulf %mul3A_249, %mul3A_250 : vector<32x128xf32>
        %max3A_252 = arith.maximumf %max3A_209, %mul3A_251 : vector<32x128xf32>
        scf.yield %max3A_252 : vector<32x128xf32>
      }
      %scan3A_37 = arith.constant 50 : i32
      %swap3A_38 = arith.index_cast %mul3A_17 : i32 to index
      %swap3A_39 = arith.constant 0 : index
      %swap3A_40 = vector.load %arg9[%swap3A_38, %swap3A_39] : memref<288x128xf32, #tpu.memory_space<vmem>>, vector<32x128xf32>
      tpu.vector_store %arg9[%swap3A_38, %swap3A_39], %scan3A_36 {strides = array<i32>} : memref<288x128xf32, #tpu.memory_space<vmem>>, vector<32x128xf32>,
    }
    %scan3A_3 = arith.constant 9 : i32
    %get3A = arith.constant 0 : index
    %get3A_4 = arith.constant 0 : index
    %get3A_5 = vector.load %arg9[%get3A, %get3A_4] : memref<288x128xf32, #tpu.memory_space<vmem>>, vector<288x128xf32>
    %get3A_6 = arith.constant 0 : index
    %get3A_7 = arith.constant 0 : index
    %get3A_8 = vector.load %arg5[%get3A_6, %get3A_7] : memref<288x128xf32, #tpu.memory_space<vmem>>, vector<288x128xf32>
    %gt3A = arith.constant 0.000000e+00 : f32
    %gt3A_9 = vector.broadcast %gt3A : f32 to vector<288x128xf32>
    %gt3A_10 = arith.cmpf ogt, %get3A_8, %gt3A_9 : vector<288x128xf32>
    %jit3A = arith.constant 1.500000e+00 : f32
    %broadcast_in_dim3A = vector.broadcast %jit3A : f32 to vector<288x128xf32>
    %select_n3A = arith.select %gt3A_10, %get3A_5, %broadcast_in_dim3A : vector<288x128xi1>, vector<288x128xf32>
    %swap3A = arith.constant 0 : index
    %swap3A_11 = arith.constant 0 : index
    %swap3A_12 = arith.constant 0 : index
    %swap3A_13 = vector.load %arg8[%swap3A, %swap3A_11, %swap3A_12] : memref<1x288x128xf32, #tpu.memory_space<vmem>>, vector<1x288x128xf32>
    %swap3A_14 = vector.shape_cast %swap3A_13 : vector<1x288x128xf32> to vector<288x128xf32>
    %swap3A_15 = vector.shape_cast %select_n3A : vector<288x128xf32> to vector<1x288x128xf32>
    tpu.vector_store %arg8[%swap3A, %swap3A_11, %swap3A_12], %swap3A_15 {strides = array<i32>} : memref<1x288x128xf32, #tpu.memory_space<vmem>>, vector<1x288x128xf32>,
    return
  }
  func.func @transform_0(%arg0: i32) -> (i32, i32, i32) {
    %c0_i32 = arith.constant 0 : i32
    %c0_i32_0 = arith.constant 0 : i32
    %c0_i32_1 = arith.constant 0 : i32
    return %arg0, %c0_i32, %c0_i32_0 : i32, i32, i32
  }
  func.func @transform_1(%arg0: i32) -> (i32, i32, i32) {
    %c0_i32 = arith.constant 0 : i32
    %c0_i32_0 = arith.constant 0 : i32
    %c0_i32_1 = arith.constant 0 : i32
    return %arg0, %c0_i32, %c0_i32_0 : i32, i32, i32
  }
  func.func @transform_2(%arg0: i32) -> (i32, i32) {
    %c0_i32 = arith.constant 0 : i32
    %c0_i32_0 = arith.constant 0 : i32
    %c0_i32_1 = arith.constant 0 : i32
    return %c0_i32, %c0_i32_0 : i32, i32
  }
  func.func @transform_3(%arg0: i32) -> (i32, i32) {
    %c0_i32 = arith.constant 0 : i32
    %c0_i32_0 = arith.constant 0 : i32
    %c0_i32_1 = arith.constant 0 : i32
    return %c0_i32, %c0_i32_0 : i32, i32
  }
  func.func @transform_4(%arg0: i32) -> (i32, i32) {
    %c0_i32 = arith.constant 0 : i32
    %c0_i32_0 = arith.constant 0 : i32
    %c0_i32_1 = arith.constant 0 : i32
    return %c0_i32, %c0_i32_0 : i32, i32
  }
  func.func @transform_5(%arg0: i32) -> (i32, i32) {
    %c0_i32 = arith.constant 0 : i32
    %c0_i32_0 = arith.constant 0 : i32
    %c0_i32_1 = arith.constant 0 : i32
    return %c0_i32, %c0_i32_0 : i32, i32
  }
  func.func @transform_6(%arg0: i32) -> (i32, i32) {
    %c0_i32 = arith.constant 0 : i32
    %c0_i32_0 = arith.constant 0 : i32
    %c0_i32_1 = arith.constant 0 : i32
    return %c0_i32, %c0_i32_0 : i32, i32
  }
  func.func @transform_7(%arg0: i32) -> (i32, i32, i32) {
    %c0_i32 = arith.constant 0 : i32
    %c0_i32_0 = arith.constant 0 : i32
    %c0_i32_1 = arith.constant 0 : i32
    return %arg0, %c0_i32, %c0_i32_0 : i32, i32, i32
  }
}

</mosaic_0001>

<sc_bundles>
// kernel: kernel.4.cloned.1.call-start
scs
__scs_entry_jumppad:
0x0: {  	(pc) =	sbr.rel $0x88, $3  }
0x1: {  	(tag) =	ssettag $0x0;
	lr =	simm.s32 $0x1  }
0x2: {  	[smem:$0x3FA0] =	sst lr;
	_ =	strace $0xD0000000  }
0x3: {  	_ = 	snop  }
0x4: {  	_ = 	snop  }
0x5: {  	_ = 	snop  }
0x6: {  	_ = 	snop  }
0x7: {  	_ = 	snop  }
__scs_overlays_trampoline_lowered:
0x8: {  	[smem:$0x3FAF] =	sst s0  }
0x9: {  	[smem:$0x3FB0] =	sst s1  }
0xa: {  	[smem:$0x3FB1] =	sst s2  }
0xb: {  	[smem:$0x3FB2] =	sst s3  }
0xc: {  	[smem:$0x3FB3] =	sst s4  }
0xd: {  	[smem:$0x3FB4] =	sst s5  }
0xe: {  	[smem:$0x3FB5] =	sst s6  }
0xf: {  	[smem:$0x3FB6] =	sst s7  }
0x10: {  	[smem:$0x3FB7] =	sst s8  }
0x11: {  	[smem:$0x3FB8] =	sst s9;
	s0 =	simm.s32 @!p0 $0x0  }
0x12: {  	s1 =	sld [smem:$0x3F9E];
	s0 =	simm.s32 @p0 $0x1  }
0x13: {  	[smem:$0x3FB9] =	sst s0;
	s0 =	simm.s32 @!p1 $0x0  }
0x14: {  	s2 =	sld [smem:$0x3F9D];
	s0 =	simm.s32 @p1 $0x1  }
0x15: {  	[smem:$0x3FBA] =	sst s0;
	s0 =	simm.s32 @!p2 $0x0  }
0x16: {  	s3 =	sld [smem:$0x3FDB];
	s0 =	simm.s32 @p2 $0x1  }
0x17: {  	s4 =	simm.s32 $0x1BF5;
	[smem:$0x3FBC] =	sst s0  }
0x18: {  	s0 =	sld [smem:$0x3F9F];
	_ =	swait.ge [sflag:s4], $0x0  }
0x19: {  	s7 =	sld [smem:$0x3FA0]  }
0x1a: {  	s8 =	sadd.s32 $0xFFFFE003, lr  }
0x1b: {  	s9 =	sadd.s32 $0xFFFFFEF7, lr;
	s5 =	simm.s32 $0xFFFFFFFF;
	p2 =	slt.u32 s8, $0xFFFFF086  }
0x1c: {  	p1 =	slt.u32 s9, $0xF7A;
	s5 =	simm.s32 @!p2 $0x0  }
0x1d: {  	s5 =	simm.s32 @p1 $0x1;
	p0 =	seq.s32 s7, s2  }
0x1e: {  	s7 =	smul.u32 @!p0 $0xF7A, s2;
	p2 =	seq.s32 @!p0 s5, $0x0  }
0x1f: {  	s9 =	smul.u32 $0xF7A, s1;
	s8 =	simm.s32 @!p0 $0x1BF5;
	p2 =	por !p2, p0  }
0x20: {  	[sflag:s8] =	ssyncset.s32 @!p0 $0xFFFFF086;
	s6 =	sadd.s32 @!p0 s3, s7;
	s7 =	simm.s32 @!p0 $0x108  }
0x21: {  	s3 =	sadd.s32 s3, s9;
	s6 =	sadd.s32 @!p0 $0x88, s6;
	s7 =	simm.s32 @p2 $0x1082  }
0x22: {  	[simem:s7], [sflag:s8] =	dma.local @!p0 [hbm:s6], $0xF7A  }
0x23: {  	s9 =	sor.u32 $0xD0000000, s2;
	s6 =	simm.s32 $0x108;
	_ =	swait.ge @!p0 [sflag:s8], $0x0  }
0x24: {  	s3 =	sadd.s32 $0x88, s3;
	s6 =	simm.s32 @!p1 $0x1082;
	[sflag:s4] =	ssyncset.s32 $0xFFFFF086  }
0x25: {  	[simem:s6], [sflag:s4] =	dma.local [hbm:s3], $0xF7A  }
0x26: {  	[smem:$0x3FA0] =	sst s1;
	(tag) =	ssettag s2;
	_ =	strace s9  }
0x27: {  	s1 =	sld [smem:$0x3FB0]  }
0x28: {  	s2 =	sld [smem:$0x3FB1]  }
0x29: {  	s4 =	sld [smem:$0x3FB3]  }
0x2a: {  	p0 =	seq.s32 s5, $0x0;
	s5 =	sld [smem:$0x3FB4]  }
0x2b: {  	s6 =	sld [smem:$0x3FB5]  }
0x2c: {  	s7 =	sld [smem:$0x3FB6]  }
0x2d: {  	s3 =	simm.s32 $0x108;
	s8 =	sld [smem:$0x3FB7]  }
0x2e: {  	s3 =	simm.s32 @!p0 $0x1082;
	s9 =	sld [smem:$0x3FB8]  }
0x2f: {  	lr =	sadd.s32 s0, s3;
	s0 =	sld [smem:$0x3FAF]  }
0x30: {  	s3 =	sld [smem:$0x3FB2]  }
0x31: {  	[smem:$0x3FBB] =	sst s10  }
0x32: {  	s10 =	sld [smem:$0x3FB9];
	_ =	sdelay $0x3  }
0x33: {  	p0 =	seq.s32 s10, $0x1;
	s10 =	sld [smem:$0x3FBB];
	_ =	sdelay $0x3  }
0x34: {  	[smem:$0x3FBB] =	sst s10  }
0x35: {  	s10 =	sld [smem:$0x3FBA];
	_ =	sdelay $0x3  }
0x36: {  	p1 =	seq.s32 s10, $0x1;
	s10 =	sld [smem:$0x3FBB];
	_ =	sdelay $0x3  }
0x37: {  	[smem:$0x3FBB] =	sst s10  }
0x38: {  	s10 =	sld [smem:$0x3FBC]  }
0x39: {  	_ = 	snop;
	(pc) =	sbr.ind lr, $3  }
0x3a: {  	_ = 	snop  }
0x3b: {  	_ = 	snop  }
0x3c: {  	p2 =	seq.s32 s10, $0x1;
	s10 =	sld [smem:$0x3FBB]  }
0x3d: {  	_ =	shalt  }
0x3e: {  	_ =	shalt  }
0x3f: {  	_ =	shalt  }
0x40: {  	_ =	shalt  }
0x41: {  	_ =	shalt  }
0x42: {  	_ =	shalt  }
0x43: {  	_ =	shalt  }
0x44: {  	_ =	shalt  }
0x45: {  	_ =	shalt  }
0x46: {  	_ =	shalt  }
0x47: {  	_ =	shalt  }
0x48: {  	_ =	shalt  }
0x49: {  	_ =	shalt  }
0x4a: {  	_ =	shalt  }
0x4b: {  	_ =	shalt  }
0x4c: {  	_ =	shalt  }
0x4d: {  	_ =	shalt  }
0x4e: {  	_ =	shalt  }
0x4f: {  	_ =	shalt  }
0x50: {  	_ =	shalt  }
0x51: {  	_ =	shalt  }
0x52: {  	_ =	shalt  }
0x53: {  	_ =	shalt  }
0x54: {  	_ =	shalt  }
0x55: {  	_ =	shalt  }
0x56: {  	_ =	shalt  }
0x57: {  	_ =	shalt  }
0x58: {  	_ =	shalt  }
0x59: {  	_ =	shalt  }
0x5a: {  	_ =	shalt  }
0x5b: {  	_ =	shalt  }
0x5c: {  	_ =	shalt  }
0x5d: {  	_ =	shalt  }
0x5e: {  	_ =	shalt  }
0x5f: {  	_ =	shalt  }
0x60: {  	_ =	shalt  }
0x61: {  	_ =	shalt  }
0x62: {  	_ =	shalt  }
0x63: {  	_ =	shalt  }
0x64: {  	_ =	shalt  }
0x65: {  	_ =	shalt  }
0x66: {  	_ =	shalt  }
0x67: {  	_ =	shalt  }
0x68: {  	_ =	shalt  }
0x69: {  	_ =	shalt  }
0x6a: {  	_ =	shalt  }
0x6b: {  	_ =	shalt  }
0x6c: {  	_ =	shalt  }
0x6d: {  	_ =	shalt  }
0x6e: {  	_ =	shalt  }
0x6f: {  	_ =	shalt  }
0x70: {  	_ =	shalt  }
0x71: {  	_ =	shalt  }
0x72: {  	_ =	shalt  }
0x73: {  	_ =	shalt  }
0x74: {  	_ =	shalt  }
0x75: {  	_ =	shalt  }
0x76: {  	_ =	shalt  }
0x77: {  	_ =	shalt  }
0x78: {  	_ =	shalt  }
0x79: {  	_ =	shalt  }
0x7a: {  	_ =	shalt  }
0x7b: {  	_ =	shalt  }
0x7c: {  	_ =	shalt  }
0x7d: {  	_ =	shalt  }
0x7e: {  	_ =	shalt  }
0x7f: {  	_ =	shalt  }
0x80: {  	_ =	shalt  }
0x81: {  	_ =	shalt  }
0x82: {  	_ =	shalt  }
0x83: {  	_ =	shalt  }
0x84: {  	_ =	shalt  }
0x85: {  	_ =	shalt  }
0x86: {  	_ =	shalt  }
0x87: {  	_ =	shalt  }
.Lfunc_end0:
.L_simem_size_0:
called_computation_lowered:
.L_overlay_start_0:
0x88: {  	s2 =	sld [smem:$0x3FD9]  }
0x89: {  	s3 =	sld [smem:$0x3FFE];
	_ =	sdelay $0x1  }
0x8a: {  	s1 =	srdreg.scid  }
0x8b: {  	s0 =	sand.u32 $0x1, s1  }
0x8c: {  	s15 =	sshll.u32 s0, $0xA;
	s2 =	sadd.s32 s3, s2  }
0x8d: {  	s2 =	sadd.s32 s2, s15  }
0x8e: {  	[smem:$0x3FC7] =	sst s2  }
0x8f: {  	_ = 	snop  }
0x90: {  	s2 =	sld [smem:$0x3FD0];
	_ =	sdelay $0x2  }
0x91: {  	s16 =	simm.s32 $0xA;
	s4 =	simm.s32 $0x10  }
0x92: {  	[smem:s4], [sflag:s16] =	dma.local [hbm:s2], $0x1  }
0x93: {  	_ =	swait.eq [sflag:s16], $0x1  }
0x94: {  	[sflag:s16] =	ssyncset.done $0x0  }
0x95: {  	s17 =	sld [smem:$0x10];
	[sflag:s16] =	ssyncadd.s32 $0xFFFFFFFF  }
0x96: {  	s18 =	sld [smem:$0x11];
	(tm) =	ssettm $0x1  }
0x97: {  	s19 =	sld [smem:$0x3FFB];
	_ =	sdelay $0x3  }
0x98: {  	_ =	strace s19  }
0x99: {  	s4 =	sld [smem:$0x3FFC];
	_ =	sdelay $0x3  }
0x9a: {  	_ =	strace s4  }
0x9b: {  	s4 =	sld [smem:$0x3FFD];
	_ =	sdelay $0x3  }
0x9c: {  	_ =	strace s4  }
0x9d: {  	_ =	strace $0x8FFFFFFF  }
0x9e: {  	s20 =	sld [smem:$0x3FDB];
	_ =	sdelay $0x1  }
0x9f: {  	s5 =	simm.s32 $_scs_section_size  }
0xa0: {  	s6 =	simm.s32 $_size__tile_overlayer_lowered;
	s7 =	simm.s32 $_tile_overlayer_lowered  }
0xa1: {  	s23 =	simm.s32 $0x1BFF;
	s22 =	sshll.u32 s7, $0x1;
	s4 =	sadd.s32 s5, s20  }
0xa2: {  	s8 =	simm.s32 $0x0;
	s21 =	sshll.u32 s6, $0x1;
	s6 =	sadd.s32 s22, s4  }
0xa3: {  	[timem:s8], [sflag:s23] =	dma.local [hbm:s6], s21  }
0xa4: {  	_ =	swait.ge [sflag:s23], s21  }
0xa5: {  	s5 =	ssub.s32 $0x0, s21;
	[sflag:s23] =	ssyncset.done $0x0  }
0xa6: {  	[sflag:s23] =	ssyncadd.s32 s5;
	_ =	sdelay $0x1  }
0xa7: {  	s24 =	simm.s32 $0x1B8B  }
0xa8: {  	_ =	swait.ge [sflag:s24], $0x1  }
0xa9: {  	[sflag:s24] =	ssyncset.done $0x0  }
0xaa: {  	s25 =	simm.s32 $0x1B8E;
	[sflag:s24] =	ssyncadd.s32 $0xFFFFFFFF  }
0xab: {  	s26 =	simm.s32 $execute0_lowered;
	[smem:$0x3FD2] =	sst s25  }
0xac: {  	s5 =	sshll.u32 s26, $0x1;
	_ =	strace $0x80000046;
	[dreg:$0x1] =	wrdreg $0xFFFFFFFF  }
0xad: {  	s28 =	simm.s32 $_size_execute0_lowered;
	s4 =	sadd.s32 s4, s5;
	[dreg:$0x0] =	wrdreg $0x0  }
0xae: {  	s5 =	sshll.u32 s28, $0x1;
	[dreg:$0x2] =	wrdreg s4  }
0xaf: {  	[dreg:$0x3] =	wrdreg s5  }
0xb0: {  	[dreg:$0x4] =	wrdreg $0xC0  }
0xb1: {  	_ =	task [dreg:s8], $0x5FFFF  }
0xb2: {  	[dreg:$0x1] =	wrdreg $0xFFFFFFFF  }
0xb3: {  	[dreg:$0x0] =	wrdreg $0x60  }
0xb4: {  	[dreg:$0x2] =	wrdreg s17  }
0xb5: {  	[dreg:$0x3] =	wrdreg s18  }
0xb6: {  	[dreg:$0x4] =	wrdreg $0x9  }
0xb7: {  	_ =	task.clear_ibuf [dreg:s8], $0x5FFFF;
	_ =	strace $0x90000046  }
0xb8: {  	s29 =	simm.s32 $0x9;
	_ =	strace $0x80000048  }
0xb9: {  	_ =	swait.ge [sflag:s29], $0x1  }
0xba: {  	[sflag:s29] =	ssyncadd.s32 $0xFFFFFFFF  }
0xbb: {  	_ =	strace $0x90000048  }
0xbc: {  	_ =	sfence  }
0xbd: {  	s30 =	sld [smem:$0x0];
	_ =	sdelay $0x2  }
0xbe: {  	s31 =	sshll.u32 s1, $0xD;
	s1 =	sshrl.u32 s1, $0x2  }
0xbf: {  	s3 =	sand.u32 $0x4000, s31;
	s1 =	sadd.s32 s1, s30  }
0xc0: {  	s0 =	sor.u32 s3, s0;
	s1 =	sshll.u32 s1, $0x11  }
0xc1: {  	s0 =	sor.u32 s1, s0  }
0xc2: {  	s0 =	sadd.s32 $0x8F2B, s0  }
0xc3: {  	[sflag:s0] =	ssyncadd.remote.s32 $0x1  }
0xc4: {  	_ =	sfence.sel $0xFFFF  }
0xc5: {  	[dreg:$0x0] =	wrdreg $0xFFFFFFFF;
	(pc) =	sbr.abs _section_cstart, $3  }
0xc6: {  	[dreg:$0x1] =	wrdreg $0xFFFFFFFF  }
0xc7: {  	_ =	task.clear_ibuf [dreg:s8], $0x2FFFF;
	_ =	strace $0x9FFFFFFF  }
0xc8: {  	(tm) =	ssettm $0x7FFFFFFF  }
0xc9: {  	_ =	shalt  }
tec
execute0_lowered:
.L_overlay_start_1:
0x0: {  	(tag) =	ssettag $0x1  }
0x1: {  	s1 =	stileid.u32  }
0x2: {  	p0 =	sgt.u32 s1, $0x7  }
.Ltmp0:
0x3: {  	_ = 	snop;
	(pc) =	sbr.rel @p0 .LBB2_5-.Ltmp0, $4  }
0x4: {  	s4 =	rddreg [dreg:$0x0]  }
0x5: {  	s3 =	rddreg [dreg:$0x1];
	s2 =	simm.s32 $0x0  }
0x6: {  	[smem:$0x7FF] =	sst s2  }
0x7: {  	s0 =	rddreg [dreg:$0x2];
	_ =	strace $0x80000047  }
0x8: {  	s5 =	srdreg.scid  }
0x9: {  	s6 =	sshll.u32 s1, $0x1;
	s5 =	sand.u32 $0x1, s5  }
0xa: {  	s6 =	sor.u32 s5, s6  }
0xb: {  	s5 =	ssub.s32 $0x2, s5;
	s6 =	smul.u32 $0x1200, s6  }
0xc: {  	s7 =	sshrl.u32 s5, $0x1  }
0xd: {  	s5 =	ssub.s32 s5, s7;
	s7 =	simm.s32 $0x0;
	s3 =	sadd.s32 s3, s6  }
0xe: {  	v0 =	vimm.f32 $0.0e+00;
	v1 =	vimm.f32 $-1.000000000e+00;
	s4 =	sadd.s32 s4, s6;
	s5 =	smax.u32 s5, $0x1;
	s6 =	simm.s32 $0x1  }
.LBB2_2:
0xf: {  	[tilespmem:s2], [sflag:$0x1] =	stream.linear.gather [hbm4b:s4+s2], $0x9000, $0x38;
	[tilespmem:$0x9000] =	vst v63  }
0x10: {  	_ =	swait.ge [sflag:s6], $0x9000  }
0x11: {  	[sflag:s6] =	ssyncset.done $0x0  }
0x12: {  	s9 =	simm.s32 $0x20;
	[sflag:s6] =	ssyncadd.s32 $0xFFFF7000  }
0x13: {  	v2 =	vld [tilespmem:s9+$0xFFFFFFF0];
	_ =	sdelay $0x4  }
0x14: {  	vm0 =	vge.f32 v2, $1.784313680e+00  }
0x15: {  	vm1 =	vle.f32 v2, $1.000000000e+00;
	v2 =	vsel vm0, $0x3F800000, v0  }
0x16: {  	(xrf2) =	vadd.scan.msk.f32 $0xffff, v2  }
0x17: {  	v3 =	vld [tilespmem:s9+$0xFFFFFFE0];
	_ =	sdelay $0x4  }
0x18: {  	vm4 =	vle.f32 v3, $1.000000000e+00  }
0x19: {  	v4 =	vsel vm1, $0x3F800000, v0;
	v2 =	vsel vm4, $0x3F800000, v0  }
0x1a: {  	vm6 =	vge.f32 v3, $1.784313680e+00;
	(xrf2) =	vadd.scan.msk.f32 $0xffff, v4  }
0x1b: {  	v3 =	vsel vm6, $0x3F800000, v0;
	(xrf2) =	vadd.scan.msk.f32 $0xffff, v2  }
0x1c: {  	v2, _, _ =	vpop (xrf2);
	(xrf2) =	vadd.scan.msk.f32 $0xffff, v3  }
0x1d: {  	v4 =	vld [tilespmem:s9+$0x0];
	_ =	sdelay $0x4  }
0x1e: {  	vm3 =	vge.f32 v4, $1.784313680e+00  }
0x1f: {  	vm7 =	vle.f32 v4, $1.000000000e+00;
	v6 =	vsel vm3, $0x3F800000, v0  }
0x20: {  	v4 =	vsel vm7, $0x3F800000, v0;
	v3, _, _ =	vpop (xrf2)  }
0x21: {  	(xrf2) =	vadd.scan.msk.f32 $0xffff, v4;
	v5, _, _ =	vpop (xrf2)  }
0x22: {  	(xrf2) =	vadd.scan.msk.f32 $0xffff, v6;
	(v2sf) =	vpush v5, $0xF;
	v6, _, _ =	vpop (xrf2)  }
0x23: {  	(v2sf) =	vpush v6, $0xF  }
0x24: {  	(v2sf) =	vpush v3, $0xF  }
0x25: {  	v4 =	vld [tilespmem:s9+$0x10];
	(v2sf) =	vpush v2, $0xF  }
0x26: {  	s12 =	simm.f32 $0.0e+00  }
0x27: {  	v5 =	vadd.f32 s12, v5  }
0x28: {  	v6 =	vadd.f32 s12, v6  }
0x29: {  	vm5 =	vle.f32 v5, $1.700000000e+02  }
0x2a: {  	s10 =	simm.s32 $0x60;
	vm4 =	vmand vm4, vm5;
	vm5 =	vle.f32 v4, $1.000000000e+00;
	vm8 =	vle.f32 v6, $8.500000000e+01  }
0x2b: {  	v7 =	vld [tilespmem:s10+$0xFFFFFFF0];
	v5 =	vsel vm5, $0x3F800000, v0;
	v6 =	vsel vm4, $0x0, v1;
	vm6 =	vmand vm6, vm8  }
0x2c: {  	vm2 =	vmmov vm1;
	vm1 =	vge.f32 v4, $1.784313680e+00;
	v4, _, _ =	vpop (xrf2);
	(xrf2) =	vadd.scan.msk.f32 $0xffff, v5;
	v5 =	vsel vm6, $0x3F800000, v6  }
0x2d: {  	(v2sf) =	vpush v4, $0xF  }
0x2e: {  	v8 =	vsel vm1, $0x3F800000, v0  }
0x2f: {  	(xrf2) =	vadd.scan.msk.f32 $0xffff, v8;
	[tilespmem:s9+$0xFFFFFFE0] =	vst v5;
	v5, _, _ =	vpop (xrf2)  }
0x30: {  	s11 =	simm.s32 $0x4;
	vm4 =	vle.f32 v7, $1.000000000e+00;
	vm6 =	vge.f32 v7, $1.784313680e+00;
	(v2sf) =	vpush v5, $0xF  }
0x31: {  	s13 =	simm.f32 $0.0e+00;
	s8 =	simm.s32 $0x60;
	vm0 =	vmmov vm0;
	v7 =	vsel vm4, $0x3F800000, v0;
	v8 =	vsel vm6, $0x3F800000, v0;
	v6 =	vld [tilespmem:s10+$0xFFFFFFE0];
	s14 =	spop (v2sf)  }
.LBB2_3:
0x32: {  	s11 =	sadd.s32 $0x4, s11;
	(xrf2) =	vadd.scan.msk.f32 $0xffff, v8;
	s12 =	sadd.f32 s14, s12;
	s14 =	spop (v2sf)  }
0x33: {  	p0 =	slt.u32 s11, $0x8FC;
	s13 =	sadd.f32 s14, s13;
	s14 =	spop (v2sf)  }
0x34: {  	v3 =	vadd.f32 s12, v3;
	s12 =	sadd.f32 s14, s12;
	s14 =	spop (v2sf)  }
0x35: {  	(xrf2) =	vadd.scan.msk.f32 $0xffff, v7;
	v2 =	vadd.f32 s13, v2;
	s13 =	sadd.f32 s14, s13  }
0x36: {  	vm8 =	vge.f32 v6, $1.784313680e+00;
	vm9 =	vle.f32 v6, $1.000000000e+00;
	v9 =	vadd.f32 s12, v4;
	v6, _, _ =	vpop (xrf2)  }
0x37: {  	vm10 =	vle.f32 v3, $1.700000000e+02;
	v7 =	vsel vm8, $0x3F800000, v0;
	v8 =	vsel vm9, $0x3F800000, v0  }
0x38: {  	v3 =	vadd.f32 s13, v5;
	(xrf2) =	vadd.scan.msk.f32 $0xffff, v8;
	vm11 =	vle.f32 v9, $1.700000000e+02;
	(v2sf) =	vpush v6, $0xF  }
0x39: {  	vm12 =	vle.f32 v2, $8.500000000e+01;
	vm2 =	vmand vm2, vm10;
	vm7 =	vmand vm7, vm11;
	v4, _, _ =	vpop (xrf2)  }
0x3a: {  	vm10 =	vle.f32 v3, $8.500000000e+01;
	v3 =	vsel vm7, $0x0, v1;
	(v2sf) =	vpush v4, $0xF  }
0x3b: {  	vm0 =	vmand vm0, vm12;
	v5 =	vsel vm2, $0x0, v1;
	vm2 =	vmand vm3, vm10;
	(xrf2) =	vadd.scan.msk.f32 $0xffff, v7  }
0x3c: {  	v5 =	vsel vm0, $0x3F800000, v5;
	vm0 =	vmmov vm6;
	v3 =	vsel vm2, $0x3F800000, v3;
	v2, _, _ =	vpop (xrf2);
	s14 =	spop (v2sf)  }
0x3d: {  	vm2 =	vmmov vm4;
	[tilespmem:s9+$0x0] =	vst v3;
	s12 =	sadd.f32 s14, s12  }
0x3e: {  	v7 =	vld [tilespmem:s10+$0x0];
	[tilespmem:s9+$0xFFFFFFF0] =	vst v5  }
0x3f: {  	v3, _, _ =	vpop (xrf2);
	v6 =	vadd.f32 s12, v6;
	s14 =	spop (v2sf)  }
0x40: {  	s13 =	sadd.f32 s14, s13  }
0x41: {  	vm3 =	vle.f32 v6, $1.700000000e+02  }
0x42: {  	v5, _, _ =	vpop (xrf2);
	v4 =	vadd.f32 s13, v4;
	vm3 =	vmand vm5, vm3  }
0x43: {  	s10 =	sadd.s32 $0x40, s10;
	vm7 =	vle.f32 v7, $1.000000000e+00;
	v6 =	vsel vm3, $0x0, v1  }
0x44: {  	vm3 =	vge.f32 v7, $1.784313680e+00;
	v7 =	vsel vm7, $0x3F800000, v0;
	vm4 =	vle.f32 v4, $8.500000000e+01  }
0x45: {  	v4 =	vsel vm3, $0x3F800000, v0;
	v8, _, _ =	vpop (xrf2);
	(v2sf) =	vpush v5, $0xF;
	(xrf2) =	vadd.scan.msk.f32 $0xffff, v7;
	vm1 =	vmand vm1, vm4  }
0x46: {  	(v2sf) =	vpush v8, $0xF;
	v6 =	vsel vm1, $0x3F800000, v6  }
0x47: {  	(v2sf) =	vpush v3, $0xF;
	[tilespmem:s9+$0x10] =	vst v6;
	s14 =	spop (v2sf);
	s9 =	smov.u32 s8;
	s8 =	smov.u32 s10  }
0x48: {  	v6 =	vld [tilespmem:s9+$0x10];
	(v2sf) =	vpush v2, $0xF;
	(xrf2) =	vadd.scan.msk.f32 $0xffff, v4;
	s12 =	sadd.f32 s14, s12  }
0x49: {  	s14 =	spop (v2sf)  }
0x4a: {  	v4 =	vadd.f32 s12, v5;
	s13 =	sadd.f32 s14, s13;
	_ =	sdelay $0x1  }
0x4b: {  	v5 =	vadd.f32 s13, v8;
	vm1 =	vle.f32 v4, $1.700000000e+02  }
0x4c: {  	vm4 =	vmand vm9, vm1;
	vm1 =	vge.f32 v6, $1.784313680e+00;
	vm5 =	vle.f32 v6, $1.000000000e+00  }
0x4d: {  	v6 =	vld [tilespmem:s10+$0xFFFFFFF0];
	vm6 =	vle.f32 v5, $8.500000000e+01;
	v7 =	vsel vm1, $0x3F800000, v0;
	v5 =	vsel vm5, $0x3F800000, v0  }
0x4e: {  	v8 =	vsel vm4, $0x0, v1;
	vm6 =	vmand vm8, vm6;
	v4, _, _ =	vpop (xrf2);
	(xrf2) =	vadd.scan.msk.f32 $0xffff, v5  }
.Ltmp1:
0x4f: {  	v8 =	vsel vm6, $0x3F800000, v8;
	(v2sf) =	vpush v4, $0xF;
	(pc) =	sbr.rel @p0 .LBB2_3-.Ltmp1, $4  }
0x50: {  	[tilespmem:s9+$0xFFFFFFE0] =	vst v8  }
0x51: {  	v5, _, _ =	vpop (xrf2);
	(xrf2) =	vadd.scan.msk.f32 $0xffff, v7  }
0x52: {  	vm6 =	vge.f32 v6, $1.784313680e+00;
	vm4 =	vle.f32 v6, $1.000000000e+00;
	(v2sf) =	vpush v5, $0xF  }
0x53: {  	v6 =	vld [tilespmem:s10+$0xFFFFFFE0];
	v8 =	vsel vm6, $0x3F800000, v0;
	v7 =	vsel vm4, $0x3F800000, v0;
	s14 =	spop (v2sf)  }
0x54: {  	_ =	sdelay $0x2  }
0x55: {  	s11 =	sadd.f32 s14, s12;
	s14 =	spop (v2sf)  }
0x56: {  	s12 =	sadd.f32 s14, s13;
	s15 =	spop (v2sf)  }
0x57: {  	s13 =	sadd.f32 s15, s11;
	s16 =	spop (v2sf)  }
0x58: {  	s14 =	sadd.f32 s16, s12  }
0x59: {  	v4 =	vadd.f32 s13, v4  }
0x5a: {  	v5 =	vadd.f32 s14, v5  }
0x5b: {  	vm8 =	vle.f32 v4, $1.700000000e+02  }
0x5c: {  	vm7 =	vmand vm7, vm8;
	vm14 =	vle.f32 v5, $8.500000000e+01  }
0x5d: {  	v3 =	vadd.f32 s11, v3;
	v47 =	vsel vm7, $0x0, v1;
	vm3 =	vmand vm3, vm14  }
0x5e: {  	v2 =	vadd.f32 s12, v2;
	v4 =	vsel vm3, $0x3F800000, v47;
	s15 =	spop (v2sf)  }
0x5f: {  	[tilespmem:s9+$0x0] =	vst v4;
	s17 =	sadd.f32 s15, s13;
	s18 =	spop (v2sf)  }
0x60: {  	(xrf2) =	vadd.scan.msk.f32 $0xffff, v8;
	v48, _, _ =	vpop (xrf2);
	vm15 =	vle.f32 v3, $1.700000000e+02;
	vm9 =	vle.f32 v2, $8.500000000e+01;
	vm7 =	vle.f32 v6, $1.000000000e+00;
	v50 =	vld [tilespmem:s10+$0x0];
	s19 =	sadd.f32 s18, s14  }
0x61: {  	(xrf2) =	vadd.scan.msk.f32 $0xffff, v7;
	v3, _, _ =	vpop (xrf2);
	vm3 =	vge.f32 v6, $1.784313680e+00;
	v51 =	vsel vm7, $0x3F800000, v0;
	v52 =	vadd.f32 s17, v48  }
0x62: {  	vm2 =	vmand vm2, vm15;
	v49 =	vsel vm3, $0x3F800000, v0;
	(xrf2) =	vadd.scan.msk.f32 $0xffff, v51;
	v2 =	vadd.f32 s19, v3  }
0x63: {  	vm0 =	vmand vm0, vm9;
	v53 =	vsel vm2, $0x0, v1;
	(xrf2) =	vadd.scan.msk.f32 $0xffff, v49;
	vm12 =	vle.f32 v52, $1.700000000e+02  }
0x64: {  	v5 =	vsel vm0, $0x3F800000, v53;
	vm13 =	vmand vm5, vm12;
	vm14 =	vle.f32 v2, $8.500000000e+01  }
0x65: {  	vm2 =	vle.f32 v50, $1.000000000e+00;
	v2 =	vsel vm13, $0x0, v1;
	vm1 =	vmand vm1, vm14  }
0x66: {  	[tilespmem:s9+$0xFFFFFFF0] =	vst v5;
	vm0 =	vge.f32 v50, $1.784313680e+00;
	v54 =	vsel vm2, $0x3F800000, v0;
	v2 =	vsel vm1, $0x3F800000, v2  }
0x67: {  	v6 =	vsel vm0, $0x3F800000, v0;
	(xrf2) =	vadd.scan.msk.f32 $0xffff, v54;
	[tilespmem:s9+$0x10] =	vst v2  }
0x68: {  	(xrf2) =	vadd.scan.msk.f32 $0xffff, v6;
	v2 =	vld [tilespmem:s8+$0x10];
	_ =	sdelay $0x1  }
0x69: {  	v55, _, _ =	vpop (xrf2);
	(v2sf) =	vpush v48, $0xF  }
0x6a: {  	v56, _, _ =	vpop (xrf2);
	(v2sf) =	vpush v3, $0xF  }
0x6b: {  	v3, _, _ =	vpop (xrf2)  }
0x6c: {  	v57, _, _ =	vpop (xrf2);
	(v2sf) =	vpush v3, $0xF;
	vm5 =	vle.f32 v2, $1.000000000e+00  }
0x6d: {  	(v2sf) =	vpush v57, $0xF;
	vm1 =	vge.f32 v2, $1.784313680e+00;
	v2 =	vsel vm5, $0x3F800000, v0  }
0x6e: {  	(v2sf) =	vpush v56, $0xF;
	v58 =	vsel vm1, $0x3F800000, v0;
	(xrf2) =	vadd.scan.msk.f32 $0xffff, v2  }
0x6f: {  	(v2sf) =	vpush v55, $0xF;
	(xrf2) =	vadd.scan.msk.f32 $0xffff, v58  }
0x70: {  	v2, _, _ =	vpop (xrf2)  }
0x71: {  	(v2sf) =	vpush v2, $0xF;
	v59, _, _ =	vpop (xrf2)  }
0x72: {  	(v2sf) =	vpush v59, $0xF;
	_ =	sdelay $0x5  }
0x73: {  	s20 =	spop (v2sf);
	v60, _, _ =	vpop (xrf2)  }
0x74: {  	s9 =	sadd.f32 s20, s17;
	s21 =	spop (v2sf);
	(v2sf) =	vpush v60, $0xF;
	v9, _, _ =	vpop (xrf2)  }
0x75: {  	s10 =	sadd.f32 s21, s19;
	(v2sf) =	vpush v9, $0xF  }
0x76: {  	s22 =	spop (v2sf)  }
0x77: {  	v3 =	vadd.f32 s9, v3;
	v6 =	vadd.f32 s10, v57;
	s23 =	spop (v2sf);
	s9 =	sadd.f32 s22, s9  }
0x78: {  	vm6 =	vmmov vm6;
	s10 =	sadd.f32 s23, s10;
	s24 =	spop (v2sf)  }
0x79: {  	vm4 =	vmmov vm4;
	vm15 =	vle.f32 v3, $1.700000000e+02;
	vm12 =	vle.f32 v6, $8.500000000e+01;
	s11 =	sadd.f32 s24, s9;
	s25 =	spop (v2sf)  }
0x7a: {  	vm7 =	vmand vm7, vm15;
	vm3 =	vmand vm3, vm12;
	v3 =	vadd.f32 s9, v56;
	s26 =	sadd.f32 s25, s10  }
0x7b: {  	v61 =	vsel vm7, $0x0, v1;
	v5 =	vadd.f32 s10, v55;
	v2 =	vadd.f32 s11, v2;
	s28 =	spop (v2sf)  }
0x7c: {  	v4 =	vsel vm3, $0x3F800000, v61;
	vm13 =	vle.f32 v3, $1.700000000e+02;
	v3 =	vadd.f32 s26, v59;
	s10 =	sadd.f32 s28, s11;
	s29 =	spop (v2sf)  }
0x7d: {  	vm15 =	vle.f32 v5, $8.500000000e+01;
	vm3 =	vmand vm4, vm13;
	vm14 =	vle.f32 v2, $1.700000000e+02;
	s9 =	sadd.f32 s29, s26  }
0x7e: {  	vm11 =	vmand vm6, vm15;
	v63 =	vsel vm3, $0x0, v1;
	v2 =	vadd.f32 s10, v60  }
0x7f: {  	vm2 =	vmand vm2, vm14;
	vm10 =	vle.f32 v3, $8.500000000e+01;
	v62 =	vadd.f32 s9, v9  }
0x80: {  	v3 =	vsel vm2, $0x0, v1;
	vm0 =	vmand vm0, vm10;
	vm12 =	vle.f32 v2, $1.700000000e+02  }
0x81: {  	[tilespmem:s8+$0xFFFFFFE0] =	vst v4;
	v2 =	vsel vm0, $0x3F800000, v3;
	vm13 =	vmand vm5, vm12;
	vm14 =	vle.f32 v62, $8.500000000e+01  }
0x82: {  	s7 =	sadd.s32 $0x1, s7;
	v3 =	vsel vm11, $0x3F800000, v63;
	[tilespmem:s8+$0x0] =	vst v2;
	v2 =	vsel vm13, $0x0, v1;
	vm15 =	vmand vm1, vm14  }
0x83: {  	p0 =	sne.s32 s7, s5;
	[tilespmem:s8+$0xFFFFFFF0] =	vst v3;
	v2 =	vsel vm15, $0x3F800000, v2;
	s30 =	spop (v2sf)  }
.Ltmp2:
0x84: {  	[tilespmem:s8+$0x10] =	vst v2;
	s31 =	spop (v2sf);
	(pc) =	sbr.rel @p0 .LBB2_2-.Ltmp2, $4  }
0x85: {  	[hbm4b:s3+s2] =	stream.linear.scatter [tilespmem:s2], [sflag:$0x1], $0x9000, $0x38;
	[tilespmem:$0x9000] =	vst v63  }
0x86: {  	_ =	swait.ge [sflag:s6], $0x9000  }
0x87: {  	[sflag:s6] =	ssyncset.done $0x0  }
0x88: {  	[sflag:s6] =	ssyncadd.s32 $0xFFFF7000  }
.LBB2_5:
0x89: {  	_ =	sfence.sel $0x180000  }
0x8a: {  	[bflag:$0x0] =	sbarrier.arrive $0xFFFF  }
0x8b: {  	p0 =	sne.s32 s1, $0x0;
	_ =	strace $0x90000047  }
0x8c: {  	s0 =	sadd.s32 @!p0 $0x100000, s0;
	[bflag:$0x2] =	sbarrier.arrive $0xFFFF  }
0x8d: {  	[sflag:s0] =	ssyncadd.tile.s32 @!p0 $0x1;
	_ =	shalt  }
.Lfunc_end2:
_tile_overlayer_lowered:
.L_overlay_start_2:
0x8e: {  	(tag) =	ssettag $0x2  }
0x8f: {  	s0 =	rddreg [dreg:$0x0];
	s2 =	stileid.u32  }
0x90: {  	s1 =	rddreg [dreg:$0x1];
	p0 =	sne.s32 s2, $0x0  }
0x91: {  	s3 =	rddreg [dreg:$0x2];
	[bflag:$0x3] =	sbarrier.arrive $0xFFFF;
	s2 =	simm.s32 @!p0 $0x1C02  }
0x92: {  	[timem:s3], [sflag:s2] =	dma.local @!p0 [hbm:s0], s1  }
0x93: {  	s0 =	simm.s32 @!p0 $0x2  }
0x94: {  	_ =	swait.ge @!p0 [sflag:s0], s1  }
0x95: {  	s1 =	ssub.s32 @!p0 $0x0, s1;
	[sflag:s0] =	ssyncset.done @!p0 $0x0  }
0x96: {  	[sflag:s0] =	ssyncadd.s32 @!p0 s1  }
0x97: {  	[bflag:$0x3] =	sbarrier.arrive $0xFFFF  }
0x98: {  	_ =	shalt  }

</sc_bundles>
